<compile_context>
chip_gen: v7x
topology: tpu7x:2x2x1
jax: 0.10.2.dev20260603
libtpu: 0.0.44.dev20260713+nightly
codegen_flags: <defaults>
</compile_context>

<pallas_src>
import functools

import jax
import jax.numpy as jnp
from jax import lax
from jax.experimental import pallas as pl
from jax.experimental.pallas import tpu as pltpu
from jax.experimental.pallas import tpu_sc as plsc

VOCAB = 100000
EMB = 300
NOUT = 2
BATCH = 4096
HIST = 50
LANES = 16
NC, NS = 2, 16
NW = NC * NS
NSHARD = NW // NOUT
B_PER_W = BATCH // NSHARD
NGRP = B_PER_W // LANES
K_BLK = 64
K_STEPS = -(-EMB // K_BLK)
K_PAD = K_BLK * K_STEPS


def _matmul_body(wt_ref, w_ref, o0_ref, o1_ref):
    part = lax.dot_general(wt_ref[...], w_ref[...],
                           (((0,), (0,)), ((), ())),
                           preferred_element_type=jnp.float32)

    @pl.when(pl.program_id(0) == 0)
    def _():
        o0_ref[...] = part[0]
        o1_ref[...] = part[1]

    @pl.when(pl.program_id(0) > 0)
    def _():
        o0_ref[...] = o0_ref[...] + part[0]
        o1_ref[...] = o1_ref[...] + part[1]


def _project(wT, wtp):
    return pl.pallas_call(
        _matmul_body,
        grid=(K_STEPS,),
        in_specs=[
            pl.BlockSpec((K_BLK, 8), lambda i: (i, 0)),
            pl.BlockSpec((K_BLK, VOCAB), lambda i: (i, 0)),
        ],
        out_specs=[pl.BlockSpec((VOCAB,), lambda i: (0,)),
                   pl.BlockSpec((VOCAB,), lambda i: (0,))],
        out_shape=[jax.ShapeDtypeStruct((VOCAB,), jnp.float32),
                   jax.ShapeDtypeStruct((VOCAB,), jnp.float32)],
        compiler_params=pltpu.CompilerParams(vmem_limit_bytes=56 * 2**20),
    )(wtp, wT)


def _pool_body(p0_hbm, p1_hbm, xt_hbm, out_hbm, tbl_v, xt_v, out_v, scale_v,
               tbl_sem, tbl2_sem, xt_sem):
    wid = lax.axis_index("s") * NC + lax.axis_index("c")
    col = wid % NOUT
    r0 = (wid // NOUT) * B_PER_W

    xt_copy = pltpu.async_copy(xt_hbm.at[:, pl.ds(r0, B_PER_W)], xt_v, xt_sem)

    half = VOCAB // 2

    @pl.when(col == 0)
    def _():
        pltpu.async_copy(p0_hbm.at[pl.ds(0, half)], tbl_v.at[pl.ds(0, half)],
                         tbl_sem)
        pltpu.async_copy(p0_hbm.at[pl.ds(half, half)],
                         tbl_v.at[pl.ds(half, half)], tbl2_sem)

    @pl.when(col == 1)
    def _():
        pltpu.async_copy(p1_hbm.at[pl.ds(0, half)], tbl_v.at[pl.ds(0, half)],
                         tbl_sem)
        pltpu.async_copy(p1_hbm.at[pl.ds(half, half)],
                         tbl_v.at[pl.ds(half, half)], tbl2_sem)
    scale_v[...] = jnp.full((LANES,), 1.0 / HIST, jnp.float32)
    xt_copy.wait()
    pltpu.make_async_copy(p0_hbm.at[pl.ds(0, half)], tbl_v.at[pl.ds(0, half)],
                          tbl_sem).wait()
    pltpu.make_async_copy(p0_hbm.at[pl.ds(half, half)],
                          tbl_v.at[pl.ds(half, half)], tbl2_sem).wait()

    @pl.loop(0, NGRP)
    def _grp(g):
        idx0 = xt_v[0, pl.ds(g * LANES, LANES)]
        acc = plsc.load_gather(tbl_v, [idx0])
        for l in range(1, HIST):
            idx = xt_v[l, pl.ds(g * LANES, LANES)]
            acc = acc + plsc.load_gather(tbl_v, [idx])
        out_v[pl.ds(g * LANES, LANES)] = acc * scale_v[...]

    pltpu.sync_copy(out_v, out_hbm.at[col, pl.ds(r0, B_PER_W)])


@functools.cache
def _pool():
    return pl.kernel(
        _pool_body,
        out_type=jax.ShapeDtypeStruct((NOUT, BATCH), jnp.float32),
        mesh=plsc.VectorSubcoreMesh(core_axis_name="c", subcore_axis_name="s",
                                    num_cores=NC, num_subcores=NS),
        compiler_params=pltpu.CompilerParams(use_tc_tiling_on_sc=False,
                                             needs_layout_passes=False),
        scratch_types=[
            pltpu.VMEM((VOCAB,), jnp.float32),
            pltpu.VMEM((HIST, B_PER_W), jnp.int32),
            pltpu.VMEM((B_PER_W,), jnp.float32),
            pltpu.VMEM((LANES,), jnp.float32),
            pltpu.SemaphoreType.DMA,
            pltpu.SemaphoreType.DMA,
            pltpu.SemaphoreType.DMA,
        ],
    )


def kernel(x, weight, W_out):
    wtp = jnp.zeros((K_PAD, 8), jnp.float32).at[:EMB, :NOUT].set(W_out.T)
    p0, p1 = _project(weight.T, wtp)
    xt = x.astype(jnp.int32).T
    pooled = _pool()(p0, p1, xt)
    return pooled.T

# --- scband reference (transcript-rebuilt; emitter-appended) ---
"""Pipeline reference for scband-mlp-32624571580881 (READ-ONLY COPY).

The authoritative reference and input builder live on the scoring server;
editing this copy changes nothing except your own understanding.
"""

import jax, jax.numpy as jnp
import numpy as np

VOCAB = 100000
EMB_DIM = 300
NUM_OUTPUTS = 2
BATCH = 4096
HIST = 50

def setup_inputs(seed: int = 0) -> dict:
    key = jax.random.key(seed)
    k1, k2, k3 = jax.random.split(key, 3)
    x = jax.random.randint(k1, (BATCH, HIST), 0, VOCAB, dtype=jnp.int64 if jax.config.jax_enable_x64 else jnp.int32)
    weight = jax.random.normal(k2, (VOCAB, EMB_DIM), dtype=jnp.float32) * 0.02
    W_out = jax.random.normal(k3, (NUM_OUTPUTS, EMB_DIM), dtype=jnp.float32) * 0.02
    return {"x": x, "weight": weight, "W_out": W_out}

def reference(x, weight, W_out):
    # embedding lookup (gather rows of pretrained table)
    embedding = jnp.take(weight, x, axis=0)            # [B, L, 300]
    embedding = jnp.mean(embedding, axis=1)            # [B, 300]
    out = embedding @ W_out.T                          # [B, num_outputs], Linear w/o bias
    return out

if __name__ == "__main__":
    import jax
    _d = setup_inputs()
    print(jax.jit(kernel)(*tuple(_d.values())))

</pallas_src>

<mosaic_0001>
#map = affine_map<(d0, d1) -> (0)>
#map1 = affine_map<(d0, d1) -> (0, 0)>
module attributes {stable_mosaic.version = 14 : i64} {
  func.func @_pool_body(%arg0: i32, %arg1: i32, %arg2: memref<100000xf32, #tpu.memory_space<hbm>>, %arg3: memref<100000xf32, #tpu.memory_space<hbm>>, %arg4: memref<50x4096xi32, #tpu.memory_space<hbm>>, %arg5: memref<2x4096xf32, #tpu.memory_space<hbm>>, %arg6: memref<100000xf32, #tpu.memory_space<vmem>>, %arg7: memref<50x256xi32, #tpu.memory_space<vmem>>, %arg8: memref<256xf32, #tpu.memory_space<vmem>>, %arg9: memref<16xf32, #tpu.memory_space<vmem>>, %arg10: memref<!tpu.dma_semaphore, #tpu.memory_space<semaphore_mem>>, %arg11: memref<!tpu.dma_semaphore, #tpu.memory_space<semaphore_mem>>, %arg12: memref<!tpu.dma_semaphore, #tpu.memory_space<semaphore_mem>>) attributes {dimension_semantics = [#tpu.dimension_semantics<core_parallel>, #tpu.dimension_semantics<subcore_parallel>], iteration_bounds = array<i64: 2, 16>, scalar_prefetch = 0 : i64, scratch_operands = 7 : i64, tpu.core_type = #tpu.core_type<sc_vector_subcore>, window_params = [{transform_indices = #map}, {transform_indices = #map}, {transform_indices = #map1}, {transform_indices = #map1}]} {
    %mul3A = arith.constant 2 : i32
    %mul3A_0 = arith.muli %arg1, %mul3A : i32
    %add3A = arith.addi %mul3A_0, %arg0 : i32
    %jit3A = arith.constant 2 : i32
    %eq3A = arith.constant 0 : i32
    %eq3A_1 = arith.cmpi eq, %jit3A, %eq3A : i32
    %jit3A_2 = arith.constant 1 : i32
    %select_n3A = arith.select %eq3A_1, %jit3A_2, %jit3A : i32
    %rem3A = arith.remsi %add3A, %select_n3A : i32
    %ne3A = arith.constant 0 : i32
    %ne3A_3 = arith.cmpi ne, %rem3A, %ne3A : i32
    %lt3A = arith.constant 0 : i32
    %lt3A_4 = arith.cmpi slt, %rem3A, %lt3A : i32
    %lt3A_5 = arith.constant 0 : i32
    %lt3A_6 = arith.cmpi slt, %select_n3A, %lt3A_5 : i32
    %ne3A_7 = arith.xori %lt3A_4, %lt3A_6 : i1
    %and3A = arith.andi %ne3A_7, %ne3A_3 : i1
    %add3A_8 = arith.addi %rem3A, %select_n3A : i32
    %select_n3A_9 = arith.select %and3A, %add3A_8, %rem3A : i32
    %jit3A_10 = arith.constant 2 : i32
    %div3A = arith.divsi %add3A, %jit3A_10 : i32
    %sign3A = arith.constant 0 : i32
    %sign3A_11 = arith.cmpi sgt, %add3A, %sign3A : i32
    %sign3A_12 = arith.extui %sign3A_11 : i1 to i32
    %sign3A_13 = arith.constant 0 : i32
    %sign3A_14 = arith.cmpi slt, %add3A, %sign3A_13 : i32
    %sign3A_15 = arith.extui %sign3A_14 : i1 to i32
    %sign3A_16 = arith.subi %sign3A_12, %sign3A_15 : i32
    %sign3A_17 = arith.constant 0 : i32
    %sign3A_18 = arith.cmpi sgt, %jit3A_10, %sign3A_17 : i32
    %sign3A_19 = arith.extui %sign3A_18 : i1 to i32
    %sign3A_20 = arith.constant 0 : i32
    %sign3A_21 = arith.cmpi slt, %jit3A_10, %sign3A_20 : i32
    %sign3A_22 = arith.extui %sign3A_21 : i1 to i32
    %sign3A_23 = arith.subi %sign3A_19, %sign3A_22 : i32
    %ne3A_24 = arith.cmpi ne, %sign3A_16, %sign3A_23 : i32
    %rem3A_25 = arith.remsi %add3A, %jit3A_10 : i32
    %ne3A_26 = arith.constant 0 : i32
    %ne3A_27 = arith.cmpi ne, %rem3A_25, %ne3A_26 : i32
    %and3A_28 = arith.andi %ne3A_24, %ne3A_27 : i1
    %sub3A = arith.constant 1 : i32
    %sub3A_29 = arith.subi %div3A, %sub3A : i32
    %select_n3A_30 = arith.select %and3A_28, %sub3A_29, %div3A : i32
    %mul3A_31 = arith.constant 256 : i32
    %mul3A_32 = arith.muli %select_n3A_30, %mul3A_31 : i32
    %dma_start3A = arith.constant 0 : i32
    %dma_start3A_33 = tpu.memref_slice %arg4[%dma_start3A, %mul3A_32] : memref<50x4096xi32, #tpu.memory_space<hbm>> -> memref<50x256xi32, #tpu.memory_space<hbm>>
    %dma_start3A_34 = arith.constant 0 : i32
    %dma_start3A_35 = tpu.memref_slice %arg4[%dma_start3A_34, %mul3A_32] : memref<50x4096xi32, #tpu.memory_space<hbm>> -> memref<50x256xi32, #tpu.memory_space<hbm>>
    tpu.enqueue_dma source(%dma_start3A_35 : memref<50x256xi32, #tpu.memory_space<hbm>>) target(%arg7 : memref<50x256xi32, #tpu.memory_space<vmem>>) target_semaphore(%arg12 : memref<!tpu.dma_semaphore, #tpu.memory_space<semaphore_mem>>)
    %eq3A_36 = arith.constant 0 : i32
    %eq3A_37 = arith.cmpi eq, %select_n3A_9, %eq3A_36 : i32
    %convert_element_type3A = arith.extui %eq3A_37 : i1 to i32
    %cond3A = arith.constant 0 : i32
    %cond3A_38 = arith.cmpi ne, %convert_element_type3A, %cond3A : i32
    scf.if %cond3A_38 {
      %dma_start3A_69 = arith.constant 0 : i32
      %dma_start3A_70 = tpu.memref_slice %arg6[%dma_start3A_69] : memref<100000xf32, #tpu.memory_space<vmem>> -> memref<50000xf32, #tpu.memory_space<vmem>>
      %dma_start3A_71 = arith.constant 0 : i32
      %dma_start3A_72 = tpu.memref_slice %arg2[%dma_start3A_71] : memref<100000xf32, #tpu.memory_space<hbm>> -> memref<50000xf32, #tpu.memory_space<hbm>>
      %dma_start3A_73 = arith.constant 0 : i32
      %dma_start3A_74 = tpu.memref_slice %arg6[%dma_start3A_73] : memref<100000xf32, #tpu.memory_space<vmem>> -> memref<50000xf32, #tpu.memory_space<vmem>>
      %dma_start3A_75 = arith.constant 0 : i32
      %dma_start3A_76 = tpu.memref_slice %arg2[%dma_start3A_75] : memref<100000xf32, #tpu.memory_space<hbm>> -> memref<50000xf32, #tpu.memory_space<hbm>>
      tpu.enqueue_dma source(%dma_start3A_76 : memref<50000xf32, #tpu.memory_space<hbm>>) target(%dma_start3A_74 : memref<50000xf32, #tpu.memory_space<vmem>>) target_semaphore(%arg10 : memref<!tpu.dma_semaphore, #tpu.memory_space<semaphore_mem>>)
      %dma_start3A_77 = arith.constant 50000 : i32
      %dma_start3A_78 = tpu.memref_slice %arg6[%dma_start3A_77] : memref<100000xf32, #tpu.memory_space<vmem>> -> memref<50000xf32, #tpu.memory_space<vmem>>
      %dma_start3A_79 = arith.constant 50000 : i32
      %dma_start3A_80 = tpu.memref_slice %arg2[%dma_start3A_79] : memref<100000xf32, #tpu.memory_space<hbm>> -> memref<50000xf32, #tpu.memory_space<hbm>>
      %dma_start3A_81 = arith.constant 50000 : i32
      %dma_start3A_82 = tpu.memref_slice %arg6[%dma_start3A_81] : memref<100000xf32, #tpu.memory_space<vmem>> -> memref<50000xf32, #tpu.memory_space<vmem>>
      %dma_start3A_83 = arith.constant 50000 : i32
      %dma_start3A_84 = tpu.memref_slice %arg2[%dma_start3A_83] : memref<100000xf32, #tpu.memory_space<hbm>> -> memref<50000xf32, #tpu.memory_space<hbm>>
      tpu.enqueue_dma source(%dma_start3A_84 : memref<50000xf32, #tpu.memory_space<hbm>>) target(%dma_start3A_82 : memref<50000xf32, #tpu.memory_space<vmem>>) target_semaphore(%arg11 : memref<!tpu.dma_semaphore, #tpu.memory_space<semaphore_mem>>)
    } else {
    }
    %eq3A_39 = arith.constant 1 : i32
    %eq3A_40 = arith.cmpi eq, %select_n3A_9, %eq3A_39 : i32
    %convert_element_type3A_41 = arith.extui %eq3A_40 : i1 to i32
    %cond3A_42 = arith.constant 0 : i32
    %cond3A_43 = arith.cmpi ne, %convert_element_type3A_41, %cond3A_42 : i32
    scf.if %cond3A_43 {
      %dma_start3A_69 = arith.constant 0 : i32
      %dma_start3A_70 = tpu.memref_slice %arg6[%dma_start3A_69] : memref<100000xf32, #tpu.memory_space<vmem>> -> memref<50000xf32, #tpu.memory_space<vmem>>
      %dma_start3A_71 = arith.constant 0 : i32
      %dma_start3A_72 = tpu.memref_slice %arg3[%dma_start3A_71] : memref<100000xf32, #tpu.memory_space<hbm>> -> memref<50000xf32, #tpu.memory_space<hbm>>
      %dma_start3A_73 = arith.constant 0 : i32
      %dma_start3A_74 = tpu.memref_slice %arg6[%dma_start3A_73] : memref<100000xf32, #tpu.memory_space<vmem>> -> memref<50000xf32, #tpu.memory_space<vmem>>
      %dma_start3A_75 = arith.constant 0 : i32
      %dma_start3A_76 = tpu.memref_slice %arg3[%dma_start3A_75] : memref<100000xf32, #tpu.memory_space<hbm>> -> memref<50000xf32, #tpu.memory_space<hbm>>
      tpu.enqueue_dma source(%dma_start3A_76 : memref<50000xf32, #tpu.memory_space<hbm>>) target(%dma_start3A_74 : memref<50000xf32, #tpu.memory_space<vmem>>) target_semaphore(%arg10 : memref<!tpu.dma_semaphore, #tpu.memory_space<semaphore_mem>>)
      %dma_start3A_77 = arith.constant 50000 : i32
      %dma_start3A_78 = tpu.memref_slice %arg6[%dma_start3A_77] : memref<100000xf32, #tpu.memory_space<vmem>> -> memref<50000xf32, #tpu.memory_space<vmem>>
      %dma_start3A_79 = arith.constant 50000 : i32
      %dma_start3A_80 = tpu.memref_slice %arg3[%dma_start3A_79] : memref<100000xf32, #tpu.memory_space<hbm>> -> memref<50000xf32, #tpu.memory_space<hbm>>
      %dma_start3A_81 = arith.constant 50000 : i32
      %dma_start3A_82 = tpu.memref_slice %arg6[%dma_start3A_81] : memref<100000xf32, #tpu.memory_space<vmem>> -> memref<50000xf32, #tpu.memory_space<vmem>>
      %dma_start3A_83 = arith.constant 50000 : i32
      %dma_start3A_84 = tpu.memref_slice %arg3[%dma_start3A_83] : memref<100000xf32, #tpu.memory_space<hbm>> -> memref<50000xf32, #tpu.memory_space<hbm>>
      tpu.enqueue_dma source(%dma_start3A_84 : memref<50000xf32, #tpu.memory_space<hbm>>) target(%dma_start3A_82 : memref<50000xf32, #tpu.memory_space<vmem>>) target_semaphore(%arg11 : memref<!tpu.dma_semaphore, #tpu.memory_space<semaphore_mem>>)
    } else {
    }
    %broadcast_in_dim3A = arith.constant 2.000000e-02 : f32
    %broadcast_in_dim3A_44 = vector.broadcast %broadcast_in_dim3A : f32 to vector<16xf32>
    %swap3A = arith.constant 0 : index
    %swap3A_45 = tpu.vector_load %arg9[%swap3A] {strides = array<i32>} : memref<16xf32, #tpu.memory_space<vmem>>, vector<16xf32>,
    tpu.vector_store %arg9[%swap3A], %broadcast_in_dim3A_44 {strides = array<i32>} : memref<16xf32, #tpu.memory_space<vmem>>, vector<16xf32>,
    %dma_wait3A = arith.constant 0 : i32
    %dma_wait3A_46 = tpu.memref_slice %arg4[%dma_wait3A, %mul3A_32] : memref<50x4096xi32, #tpu.memory_space<hbm>> -> memref<50x256xi32, #tpu.memory_space<hbm>>
    %dma_wait3A_47 = arith.constant 0 : i32
    %dma_wait3A_48 = tpu.memref_slice %arg4[%dma_wait3A_47, %mul3A_32] : memref<50x4096xi32, #tpu.memory_space<hbm>> -> memref<50x256xi32, #tpu.memory_space<hbm>>
    tpu.wait_dma2 semaphore(%arg12 : memref<!tpu.dma_semaphore, #tpu.memory_space<semaphore_mem>>) src(%dma_wait3A_48 : memref<50x256xi32, #tpu.memory_space<hbm>>) dst(%arg7 : memref<50x256xi32, #tpu.memory_space<vmem>>)
    %dma_wait3A_49 = arith.constant 0 : i32
    %dma_wait3A_50 = tpu.memref_slice %arg6[%dma_wait3A_49] : memref<100000xf32, #tpu.memory_space<vmem>> -> memref<50000xf32, #tpu.memory_space<vmem>>
    %dma_wait3A_51 = arith.constant 0 : i32
    %dma_wait3A_52 = tpu.memref_slice %arg2[%dma_wait3A_51] : memref<100000xf32, #tpu.memory_space<hbm>> -> memref<50000xf32, #tpu.memory_space<hbm>>
    %dma_wait3A_53 = arith.constant 0 : i32
    %dma_wait3A_54 = tpu.memref_slice %arg6[%dma_wait3A_53] : memref<100000xf32, #tpu.memory_space<vmem>> -> memref<50000xf32, #tpu.memory_space<vmem>>
    %dma_wait3A_55 = arith.constant 0 : i32
    %dma_wait3A_56 = tpu.memref_slice %arg2[%dma_wait3A_55] : memref<100000xf32, #tpu.memory_space<hbm>> -> memref<50000xf32, #tpu.memory_space<hbm>>
    tpu.wait_dma2 semaphore(%arg10 : memref<!tpu.dma_semaphore, #tpu.memory_space<semaphore_mem>>) src(%dma_wait3A_56 : memref<50000xf32, #tpu.memory_space<hbm>>) dst(%dma_wait3A_54 : memref<50000xf32, #tpu.memory_space<vmem>>)
    %dma_wait3A_57 = arith.constant 50000 : i32
    %dma_wait3A_58 = tpu.memref_slice %arg6[%dma_wait3A_57] : memref<100000xf32, #tpu.memory_space<vmem>> -> memref<50000xf32, #tpu.memory_space<vmem>>
    %dma_wait3A_59 = arith.constant 50000 : i32
    %dma_wait3A_60 = tpu.memref_slice %arg2[%dma_wait3A_59] : memref<100000xf32, #tpu.memory_space<hbm>> -> memref<50000xf32, #tpu.memory_space<hbm>>
    %dma_wait3A_61 = arith.constant 50000 : i32
    %dma_wait3A_62 = tpu.memref_slice %arg6[%dma_wait3A_61] : memref<100000xf32, #tpu.memory_space<vmem>> -> memref<50000xf32, #tpu.memory_space<vmem>>
    %dma_wait3A_63 = arith.constant 50000 : i32
    %dma_wait3A_64 = tpu.memref_slice %arg2[%dma_wait3A_63] : memref<100000xf32, #tpu.memory_space<hbm>> -> memref<50000xf32, #tpu.memory_space<hbm>>
    tpu.wait_dma2 semaphore(%arg11 : memref<!tpu.dma_semaphore, #tpu.memory_space<semaphore_mem>>) src(%dma_wait3A_64 : memref<50000xf32, #tpu.memory_space<hbm>>) dst(%dma_wait3A_62 : memref<50000xf32, #tpu.memory_space<vmem>>)
    %scan3A = arith.constant 0 : i32
    %scan3A_65 = arith.constant 16 : i32
    %scan3A_66 = arith.addi %scan3A, %scan3A_65 : i32
    %scan3A_67 = arith.constant 1 : i32
    scf.for %scan3A_69 = %scan3A to %scan3A_66 step %scan3A_67  : i32 {
      %mul3A_70 = arith.constant 1 : i32
      %mul3A_71 = arith.muli %scan3A_69, %mul3A_70 : i32
      %add3A_72 = arith.constant 0 : i32
      %add3A_73 = arith.addi %add3A_72, %mul3A_71 : i32
      %mul3A_74 = arith.constant 16 : i32
      %mul3A_75 = arith.muli %add3A_73, %mul3A_74 : i32
      %get3A = arith.constant 0 : i32
      %get3A_76 = arith.index_cast %get3A : i32 to index
      %get3A_77 = arith.index_cast %mul3A_75 : i32 to index
      %get3A_78 = tpu.vector_load %arg7[%get3A_76, %get3A_77] {strides = array<i32>} : memref<50x256xi32, #tpu.memory_space<vmem>>, vector<16xi32>,
      %gather3A = tpu.vector_load_idx %arg6[%get3A_78] : memref<100000xf32, #tpu.memory_space<vmem>>[vector<16xi32>], vector<16xf32>,
      %mul3A_79 = arith.constant 16 : i32
      %mul3A_80 = arith.muli %add3A_73, %mul3A_79 : i32
      %get3A_81 = arith.constant 1 : i32
      %get3A_82 = arith.index_cast %get3A_81 : i32 to index
      %get3A_83 = arith.index_cast %mul3A_80 : i32 to index
      %get3A_84 = tpu.vector_load %arg7[%get3A_82, %get3A_83] {strides = array<i32>} : memref<50x256xi32, #tpu.memory_space<vmem>>, vector<16xi32>,
      %gather3A_85 = tpu.vector_load_idx %arg6[%get3A_84] : memref<100000xf32, #tpu.memory_space<vmem>>[vector<16xi32>], vector<16xf32>,
      %add3A_86 = arith.addf %gather3A, %gather3A_85 : vector<16xf32>
      %mul3A_87 = arith.constant 16 : i32
      %mul3A_88 = arith.muli %add3A_73, %mul3A_87 : i32
      %get3A_89 = arith.constant 2 : i32
      %get3A_90 = arith.index_cast %get3A_89 : i32 to index
      %get3A_91 = arith.index_cast %mul3A_88 : i32 to index
      %get3A_92 = tpu.vector_load %arg7[%get3A_90, %get3A_91] {strides = array<i32>} : memref<50x256xi32, #tpu.memory_space<vmem>>, vector<16xi32>,
      %gather3A_93 = tpu.vector_load_idx %arg6[%get3A_92] : memref<100000xf32, #tpu.memory_space<vmem>>[vector<16xi32>], vector<16xf32>,
      %add3A_94 = arith.addf %add3A_86, %gather3A_93 : vector<16xf32>
      %mul3A_95 = arith.constant 16 : i32
      %mul3A_96 = arith.muli %add3A_73, %mul3A_95 : i32
      %get3A_97 = arith.constant 3 : i32
      %get3A_98 = arith.index_cast %get3A_97 : i32 to index
      %get3A_99 = arith.index_cast %mul3A_96 : i32 to index
      %get3A_100 = tpu.vector_load %arg7[%get3A_98, %get3A_99] {strides = array<i32>} : memref<50x256xi32, #tpu.memory_space<vmem>>, vector<16xi32>,
      %gather3A_101 = tpu.vector_load_idx %arg6[%get3A_100] : memref<100000xf32, #tpu.memory_space<vmem>>[vector<16xi32>], vector<16xf32>,
      %add3A_102 = arith.addf %add3A_94, %gather3A_101 : vector<16xf32>
      %mul3A_103 = arith.constant 16 : i32
      %mul3A_104 = arith.muli %add3A_73, %mul3A_103 : i32
      %get3A_105 = arith.constant 4 : i32
      %get3A_106 = arith.index_cast %get3A_105 : i32 to index
      %get3A_107 = arith.index_cast %mul3A_104 : i32 to index
      %get3A_108 = tpu.vector_load %arg7[%get3A_106, %get3A_107] {strides = array<i32>} : memref<50x256xi32, #tpu.memory_space<vmem>>, vector<16xi32>,
      %gather3A_109 = tpu.vector_load_idx %arg6[%get3A_108] : memref<100000xf32, #tpu.memory_space<vmem>>[vector<16xi32>], vector<16xf32>,
      %add3A_110 = arith.addf %add3A_102, %gather3A_109 : vector<16xf32>
      %mul3A_111 = arith.constant 16 : i32
      %mul3A_112 = arith.muli %add3A_73, %mul3A_111 : i32
      %get3A_113 = arith.constant 5 : i32
      %get3A_114 = arith.index_cast %get3A_113 : i32 to index
      %get3A_115 = arith.index_cast %mul3A_112 : i32 to index
      %get3A_116 = tpu.vector_load %arg7[%get3A_114, %get3A_115] {strides = array<i32>} : memref<50x256xi32, #tpu.memory_space<vmem>>, vector<16xi32>,
      %gather3A_117 = tpu.vector_load_idx %arg6[%get3A_116] : memref<100000xf32, #tpu.memory_space<vmem>>[vector<16xi32>], vector<16xf32>,
      %add3A_118 = arith.addf %add3A_110, %gather3A_117 : vector<16xf32>
      %mul3A_119 = arith.constant 16 : i32
      %mul3A_120 = arith.muli %add3A_73, %mul3A_119 : i32
      %get3A_121 = arith.constant 6 : i32
      %get3A_122 = arith.index_cast %get3A_121 : i32 to index
      %get3A_123 = arith.index_cast %mul3A_120 : i32 to index
      %get3A_124 = tpu.vector_load %arg7[%get3A_122, %get3A_123] {strides = array<i32>} : memref<50x256xi32, #tpu.memory_space<vmem>>, vector<16xi32>,
      %gather3A_125 = tpu.vector_load_idx %arg6[%get3A_124] : memref<100000xf32, #tpu.memory_space<vmem>>[vector<16xi32>], vector<16xf32>,
      %add3A_126 = arith.addf %add3A_118, %gather3A_125 : vector<16xf32>
      %mul3A_127 = arith.constant 16 : i32
      %mul3A_128 = arith.muli %add3A_73, %mul3A_127 : i32
      %get3A_129 = arith.constant 7 : i32
      %get3A_130 = arith.index_cast %get3A_129 : i32 to index
      %get3A_131 = arith.index_cast %mul3A_128 : i32 to index
      %get3A_132 = tpu.vector_load %arg7[%get3A_130, %get3A_131] {strides = array<i32>} : memref<50x256xi32, #tpu.memory_space<vmem>>, vector<16xi32>,
      %gather3A_133 = tpu.vector_load_idx %arg6[%get3A_132] : memref<100000xf32, #tpu.memory_space<vmem>>[vector<16xi32>], vector<16xf32>,
      %add3A_134 = arith.addf %add3A_126, %gather3A_133 : vector<16xf32>
      %mul3A_135 = arith.constant 16 : i32
      %mul3A_136 = arith.muli %add3A_73, %mul3A_135 : i32
      %get3A_137 = arith.constant 8 : i32
      %get3A_138 = arith.index_cast %get3A_137 : i32 to index
      %get3A_139 = arith.index_cast %mul3A_136 : i32 to index
      %get3A_140 = tpu.vector_load %arg7[%get3A_138, %get3A_139] {strides = array<i32>} : memref<50x256xi32, #tpu.memory_space<vmem>>, vector<16xi32>,
      %gather3A_141 = tpu.vector_load_idx %arg6[%get3A_140] : memref<100000xf32, #tpu.memory_space<vmem>>[vector<16xi32>], vector<16xf32>,
      %add3A_142 = arith.addf %add3A_134, %gather3A_141 : vector<16xf32>
      %mul3A_143 = arith.constant 16 : i32
      %mul3A_144 = arith.muli %add3A_73, %mul3A_143 : i32
      %get3A_145 = arith.constant 9 : i32
      %get3A_146 = arith.index_cast %get3A_145 : i32 to index
      %get3A_147 = arith.index_cast %mul3A_144 : i32 to index
      %get3A_148 = tpu.vector_load %arg7[%get3A_146, %get3A_147] {strides = array<i32>} : memref<50x256xi32, #tpu.memory_space<vmem>>, vector<16xi32>,
      %gather3A_149 = tpu.vector_load_idx %arg6[%get3A_148] : memref<100000xf32, #tpu.memory_space<vmem>>[vector<16xi32>], vector<16xf32>,
      %add3A_150 = arith.addf %add3A_142, %gather3A_149 : vector<16xf32>
      %mul3A_151 = arith.constant 16 : i32
      %mul3A_152 = arith.muli %add3A_73, %mul3A_151 : i32
      %get3A_153 = arith.constant 10 : i32
      %get3A_154 = arith.index_cast %get3A_153 : i32 to index
      %get3A_155 = arith.index_cast %mul3A_152 : i32 to index
      %get3A_156 = tpu.vector_load %arg7[%get3A_154, %get3A_155] {strides = array<i32>} : memref<50x256xi32, #tpu.memory_space<vmem>>, vector<16xi32>,
      %gather3A_157 = tpu.vector_load_idx %arg6[%get3A_156] : memref<100000xf32, #tpu.memory_space<vmem>>[vector<16xi32>], vector<16xf32>,
      %add3A_158 = arith.addf %add3A_150, %gather3A_157 : vector<16xf32>
      %mul3A_159 = arith.constant 16 : i32
      %mul3A_160 = arith.muli %add3A_73, %mul3A_159 : i32
      %get3A_161 = arith.constant 11 : i32
      %get3A_162 = arith.index_cast %get3A_161 : i32 to index
      %get3A_163 = arith.index_cast %mul3A_160 : i32 to index
      %get3A_164 = tpu.vector_load %arg7[%get3A_162, %get3A_163] {strides = array<i32>} : memref<50x256xi32, #tpu.memory_space<vmem>>, vector<16xi32>,
      %gather3A_165 = tpu.vector_load_idx %arg6[%get3A_164] : memref<100000xf32, #tpu.memory_space<vmem>>[vector<16xi32>], vector<16xf32>,
      %add3A_166 = arith.addf %add3A_158, %gather3A_165 : vector<16xf32>
      %mul3A_167 = arith.constant 16 : i32
      %mul3A_168 = arith.muli %add3A_73, %mul3A_167 : i32
      %get3A_169 = arith.constant 12 : i32
      %get3A_170 = arith.index_cast %get3A_169 : i32 to index
      %get3A_171 = arith.index_cast %mul3A_168 : i32 to index
      %get3A_172 = tpu.vector_load %arg7[%get3A_170, %get3A_171] {strides = array<i32>} : memref<50x256xi32, #tpu.memory_space<vmem>>, vector<16xi32>,
      %gather3A_173 = tpu.vector_load_idx %arg6[%get3A_172] : memref<100000xf32, #tpu.memory_space<vmem>>[vector<16xi32>], vector<16xf32>,
      %add3A_174 = arith.addf %add3A_166, %gather3A_173 : vector<16xf32>
      %mul3A_175 = arith.constant 16 : i32
      %mul3A_176 = arith.muli %add3A_73, %mul3A_175 : i32
      %get3A_177 = arith.constant 13 : i32
      %get3A_178 = arith.index_cast %get3A_177 : i32 to index
      %get3A_179 = arith.index_cast %mul3A_176 : i32 to index
      %get3A_180 = tpu.vector_load %arg7[%get3A_178, %get3A_179] {strides = array<i32>} : memref<50x256xi32, #tpu.memory_space<vmem>>, vector<16xi32>,
      %gather3A_181 = tpu.vector_load_idx %arg6[%get3A_180] : memref<100000xf32, #tpu.memory_space<vmem>>[vector<16xi32>], vector<16xf32>,
      %add3A_182 = arith.addf %add3A_174, %gather3A_181 : vector<16xf32>
      %mul3A_183 = arith.constant 16 : i32
      %mul3A_184 = arith.muli %add3A_73, %mul3A_183 : i32
      %get3A_185 = arith.constant 14 : i32
      %get3A_186 = arith.index_cast %get3A_185 : i32 to index
      %get3A_187 = arith.index_cast %mul3A_184 : i32 to index
      %get3A_188 = tpu.vector_load %arg7[%get3A_186, %get3A_187] {strides = array<i32>} : memref<50x256xi32, #tpu.memory_space<vmem>>, vector<16xi32>,
      %gather3A_189 = tpu.vector_load_idx %arg6[%get3A_188] : memref<100000xf32, #tpu.memory_space<vmem>>[vector<16xi32>], vector<16xf32>,
      %add3A_190 = arith.addf %add3A_182, %gather3A_189 : vector<16xf32>
      %mul3A_191 = arith.constant 16 : i32
      %mul3A_192 = arith.muli %add3A_73, %mul3A_191 : i32
      %get3A_193 = arith.constant 15 : i32
      %get3A_194 = arith.index_cast %get3A_193 : i32 to index
      %get3A_195 = arith.index_cast %mul3A_192 : i32 to index
      %get3A_196 = tpu.vector_load %arg7[%get3A_194, %get3A_195] {strides = array<i32>} : memref<50x256xi32, #tpu.memory_space<vmem>>, vector<16xi32>,
      %gather3A_197 = tpu.vector_load_idx %arg6[%get3A_196] : memref<100000xf32, #tpu.memory_space<vmem>>[vector<16xi32>], vector<16xf32>,
      %add3A_198 = arith.addf %add3A_190, %gather3A_197 : vector<16xf32>
      %mul3A_199 = arith.constant 16 : i32
      %mul3A_200 = arith.muli %add3A_73, %mul3A_199 : i32
      %get3A_201 = arith.constant 16 : i32
      %get3A_202 = arith.index_cast %get3A_201 : i32 to index
      %get3A_203 = arith.index_cast %mul3A_200 : i32 to index
      %get3A_204 = tpu.vector_load %arg7[%get3A_202, %get3A_203] {strides = array<i32>} : memref<50x256xi32, #tpu.memory_space<vmem>>, vector<16xi32>,
      %gather3A_205 = tpu.vector_load_idx %arg6[%get3A_204] : memref<100000xf32, #tpu.memory_space<vmem>>[vector<16xi32>], vector<16xf32>,
      %add3A_206 = arith.addf %add3A_198, %gather3A_205 : vector<16xf32>
      %mul3A_207 = arith.constant 16 : i32
      %mul3A_208 = arith.muli %add3A_73, %mul3A_207 : i32
      %get3A_209 = arith.constant 17 : i32
      %get3A_210 = arith.index_cast %get3A_209 : i32 to index
      %get3A_211 = arith.index_cast %mul3A_208 : i32 to index
      %get3A_212 = tpu.vector_load %arg7[%get3A_210, %get3A_211] {strides = array<i32>} : memref<50x256xi32, #tpu.memory_space<vmem>>, vector<16xi32>,
      %gather3A_213 = tpu.vector_load_idx %arg6[%get3A_212] : memref<100000xf32, #tpu.memory_space<vmem>>[vector<16xi32>], vector<16xf32>,
      %add3A_214 = arith.addf %add3A_206, %gather3A_213 : vector<16xf32>
      %mul3A_215 = arith.constant 16 : i32
      %mul3A_216 = arith.muli %add3A_73, %mul3A_215 : i32
      %get3A_217 = arith.constant 18 : i32
      %get3A_218 = arith.index_cast %get3A_217 : i32 to index
      %get3A_219 = arith.index_cast %mul3A_216 : i32 to index
      %get3A_220 = tpu.vector_load %arg7[%get3A_218, %get3A_219] {strides = array<i32>} : memref<50x256xi32, #tpu.memory_space<vmem>>, vector<16xi32>,
      %gather3A_221 = tpu.vector_load_idx %arg6[%get3A_220] : memref<100000xf32, #tpu.memory_space<vmem>>[vector<16xi32>], vector<16xf32>,
      %add3A_222 = arith.addf %add3A_214, %gather3A_221 : vector<16xf32>
      %mul3A_223 = arith.constant 16 : i32
      %mul3A_224 = arith.muli %add3A_73, %mul3A_223 : i32
      %get3A_225 = arith.constant 19 : i32
      %get3A_226 = arith.index_cast %get3A_225 : i32 to index
      %get3A_227 = arith.index_cast %mul3A_224 : i32 to index
      %get3A_228 = tpu.vector_load %arg7[%get3A_226, %get3A_227] {strides = array<i32>} : memref<50x256xi32, #tpu.memory_space<vmem>>, vector<16xi32>,
      %gather3A_229 = tpu.vector_load_idx %arg6[%get3A_228] : memref<100000xf32, #tpu.memory_space<vmem>>[vector<16xi32>], vector<16xf32>,
      %add3A_230 = arith.addf %add3A_222, %gather3A_229 : vector<16xf32>
      %mul3A_231 = arith.constant 16 : i32
      %mul3A_232 = arith.muli %add3A_73, %mul3A_231 : i32
      %get3A_233 = arith.constant 20 : i32
      %get3A_234 = arith.index_cast %get3A_233 : i32 to index
      %get3A_235 = arith.index_cast %mul3A_232 : i32 to index
      %get3A_236 = tpu.vector_load %arg7[%get3A_234, %get3A_235] {strides = array<i32>} : memref<50x256xi32, #tpu.memory_space<vmem>>, vector<16xi32>,
      %gather3A_237 = tpu.vector_load_idx %arg6[%get3A_236] : memref<100000xf32, #tpu.memory_space<vmem>>[vector<16xi32>], vector<16xf32>,
      %add3A_238 = arith.addf %add3A_230, %gather3A_237 : vector<16xf32>
      %mul3A_239 = arith.constant 16 : i32
      %mul3A_240 = arith.muli %add3A_73, %mul3A_239 : i32
      %get3A_241 = arith.constant 21 : i32
      %get3A_242 = arith.index_cast %get3A_241 : i32 to index
      %get3A_243 = arith.index_cast %mul3A_240 : i32 to index
      %get3A_244 = tpu.vector_load %arg7[%get3A_242, %get3A_243] {strides = array<i32>} : memref<50x256xi32, #tpu.memory_space<vmem>>, vector<16xi32>,
      %gather3A_245 = tpu.vector_load_idx %arg6[%get3A_244] : memref<100000xf32, #tpu.memory_space<vmem>>[vector<16xi32>], vector<16xf32>,
      %add3A_246 = arith.addf %add3A_238, %gather3A_245 : vector<16xf32>
      %mul3A_247 = arith.constant 16 : i32
      %mul3A_248 = arith.muli %add3A_73, %mul3A_247 : i32
      %get3A_249 = arith.constant 22 : i32
      %get3A_250 = arith.index_cast %get3A_249 : i32 to index
      %get3A_251 = arith.index_cast %mul3A_248 : i32 to index
      %get3A_252 = tpu.vector_load %arg7[%get3A_250, %get3A_251] {strides = array<i32>} : memref<50x256xi32, #tpu.memory_space<vmem>>, vector<16xi32>,
      %gather3A_253 = tpu.vector_load_idx %arg6[%get3A_252] : memref<100000xf32, #tpu.memory_space<vmem>>[vector<16xi32>], vector<16xf32>,
      %add3A_254 = arith.addf %add3A_246, %gather3A_253 : vector<16xf32>
      %mul3A_255 = arith.constant 16 : i32
      %mul3A_256 = arith.muli %add3A_73, %mul3A_255 : i32
      %get3A_257 = arith.constant 23 : i32
      %get3A_258 = arith.index_cast %get3A_257 : i32 to index
      %get3A_259 = arith.index_cast %mul3A_256 : i32 to index
      %get3A_260 = tpu.vector_load %arg7[%get3A_258, %get3A_259] {strides = array<i32>} : memref<50x256xi32, #tpu.memory_space<vmem>>, vector<16xi32>,
      %gather3A_261 = tpu.vector_load_idx %arg6[%get3A_260] : memref<100000xf32, #tpu.memory_space<vmem>>[vector<16xi32>], vector<16xf32>,
      %add3A_262 = arith.addf %add3A_254, %gather3A_261 : vector<16xf32>
      %mul3A_263 = arith.constant 16 : i32
      %mul3A_264 = arith.muli %add3A_73, %mul3A_263 : i32
      %get3A_265 = arith.constant 24 : i32
      %get3A_266 = arith.index_cast %get3A_265 : i32 to index
      %get3A_267 = arith.index_cast %mul3A_264 : i32 to index
      %get3A_268 = tpu.vector_load %arg7[%get3A_266, %get3A_267] {strides = array<i32>} : memref<50x256xi32, #tpu.memory_space<vmem>>, vector<16xi32>,
      %gather3A_269 = tpu.vector_load_idx %arg6[%get3A_268] : memref<100000xf32, #tpu.memory_space<vmem>>[vector<16xi32>], vector<16xf32>,
      %add3A_270 = arith.addf %add3A_262, %gather3A_269 : vector<16xf32>
      %mul3A_271 = arith.constant 16 : i32
      %mul3A_272 = arith.muli %add3A_73, %mul3A_271 : i32
      %get3A_273 = arith.constant 25 : i32
      %get3A_274 = arith.index_cast %get3A_273 : i32 to index
      %get3A_275 = arith.index_cast %mul3A_272 : i32 to index
      %get3A_276 = tpu.vector_load %arg7[%get3A_274, %get3A_275] {strides = array<i32>} : memref<50x256xi32, #tpu.memory_space<vmem>>, vector<16xi32>,
      %gather3A_277 = tpu.vector_load_idx %arg6[%get3A_276] : memref<100000xf32, #tpu.memory_space<vmem>>[vector<16xi32>], vector<16xf32>,
      %add3A_278 = arith.addf %add3A_270, %gather3A_277 : vector<16xf32>
      %mul3A_279 = arith.constant 16 : i32
      %mul3A_280 = arith.muli %add3A_73, %mul3A_279 : i32
      %get3A_281 = arith.constant 26 : i32
      %get3A_282 = arith.index_cast %get3A_281 : i32 to index
      %get3A_283 = arith.index_cast %mul3A_280 : i32 to index
      %get3A_284 = tpu.vector_load %arg7[%get3A_282, %get3A_283] {strides = array<i32>} : memref<50x256xi32, #tpu.memory_space<vmem>>, vector<16xi32>,
      %gather3A_285 = tpu.vector_load_idx %arg6[%get3A_284] : memref<100000xf32, #tpu.memory_space<vmem>>[vector<16xi32>], vector<16xf32>,
      %add3A_286 = arith.addf %add3A_278, %gather3A_285 : vector<16xf32>
      %mul3A_287 = arith.constant 16 : i32
      %mul3A_288 = arith.muli %add3A_73, %mul3A_287 : i32
      %get3A_289 = arith.constant 27 : i32
      %get3A_290 = arith.index_cast %get3A_289 : i32 to index
      %get3A_291 = arith.index_cast %mul3A_288 : i32 to index
      %get3A_292 = tpu.vector_load %arg7[%get3A_290, %get3A_291] {strides = array<i32>} : memref<50x256xi32, #tpu.memory_space<vmem>>, vector<16xi32>,
      %gather3A_293 = tpu.vector_load_idx %arg6[%get3A_292] : memref<100000xf32, #tpu.memory_space<vmem>>[vector<16xi32>], vector<16xf32>,
      %add3A_294 = arith.addf %add3A_286, %gather3A_293 : vector<16xf32>
      %mul3A_295 = arith.constant 16 : i32
      %mul3A_296 = arith.muli %add3A_73, %mul3A_295 : i32
      %get3A_297 = arith.constant 28 : i32
      %get3A_298 = arith.index_cast %get3A_297 : i32 to index
      %get3A_299 = arith.index_cast %mul3A_296 : i32 to index
      %get3A_300 = tpu.vector_load %arg7[%get3A_298, %get3A_299] {strides = array<i32>} : memref<50x256xi32, #tpu.memory_space<vmem>>, vector<16xi32>,
      %gather3A_301 = tpu.vector_load_idx %arg6[%get3A_300] : memref<100000xf32, #tpu.memory_space<vmem>>[vector<16xi32>], vector<16xf32>,
      %add3A_302 = arith.addf %add3A_294, %gather3A_301 : vector<16xf32>
      %mul3A_303 = arith.constant 16 : i32
      %mul3A_304 = arith.muli %add3A_73, %mul3A_303 : i32
      %get3A_305 = arith.constant 29 : i32
      %get3A_306 = arith.index_cast %get3A_305 : i32 to index
      %get3A_307 = arith.index_cast %mul3A_304 : i32 to index
      %get3A_308 = tpu.vector_load %arg7[%get3A_306, %get3A_307] {strides = array<i32>} : memref<50x256xi32, #tpu.memory_space<vmem>>, vector<16xi32>,
      %gather3A_309 = tpu.vector_load_idx %arg6[%get3A_308] : memref<100000xf32, #tpu.memory_space<vmem>>[vector<16xi32>], vector<16xf32>,
      %add3A_310 = arith.addf %add3A_302, %gather3A_309 : vector<16xf32>
      %mul3A_311 = arith.constant 16 : i32
      %mul3A_312 = arith.muli %add3A_73, %mul3A_311 : i32
      %get3A_313 = arith.constant 30 : i32
      %get3A_314 = arith.index_cast %get3A_313 : i32 to index
      %get3A_315 = arith.index_cast %mul3A_312 : i32 to index
      %get3A_316 = tpu.vector_load %arg7[%get3A_314, %get3A_315] {strides = array<i32>} : memref<50x256xi32, #tpu.memory_space<vmem>>, vector<16xi32>,
      %gather3A_317 = tpu.vector_load_idx %arg6[%get3A_316] : memref<100000xf32, #tpu.memory_space<vmem>>[vector<16xi32>], vector<16xf32>,
      %add3A_318 = arith.addf %add3A_310, %gather3A_317 : vector<16xf32>
      %mul3A_319 = arith.constant 16 : i32
      %mul3A_320 = arith.muli %add3A_73, %mul3A_319 : i32
      %get3A_321 = arith.constant 31 : i32
      %get3A_322 = arith.index_cast %get3A_321 : i32 to index
      %get3A_323 = arith.index_cast %mul3A_320 : i32 to index
      %get3A_324 = tpu.vector_load %arg7[%get3A_322, %get3A_323] {strides = array<i32>} : memref<50x256xi32, #tpu.memory_space<vmem>>, vector<16xi32>,
      %gather3A_325 = tpu.vector_load_idx %arg6[%get3A_324] : memref<100000xf32, #tpu.memory_space<vmem>>[vector<16xi32>], vector<16xf32>,
      %add3A_326 = arith.addf %add3A_318, %gather3A_325 : vector<16xf32>
      %mul3A_327 = arith.constant 16 : i32
      %mul3A_328 = arith.muli %add3A_73, %mul3A_327 : i32
      %get3A_329 = arith.constant 32 : i32
      %get3A_330 = arith.index_cast %get3A_329 : i32 to index
      %get3A_331 = arith.index_cast %mul3A_328 : i32 to index
      %get3A_332 = tpu.vector_load %arg7[%get3A_330, %get3A_331] {strides = array<i32>} : memref<50x256xi32, #tpu.memory_space<vmem>>, vector<16xi32>,
      %gather3A_333 = tpu.vector_load_idx %arg6[%get3A_332] : memref<100000xf32, #tpu.memory_space<vmem>>[vector<16xi32>], vector<16xf32>,
      %add3A_334 = arith.addf %add3A_326, %gather3A_333 : vector<16xf32>
      %mul3A_335 = arith.constant 16 : i32
      %mul3A_336 = arith.muli %add3A_73, %mul3A_335 : i32
      %get3A_337 = arith.constant 33 : i32
      %get3A_338 = arith.index_cast %get3A_337 : i32 to index
      %get3A_339 = arith.index_cast %mul3A_336 : i32 to index
      %get3A_340 = tpu.vector_load %arg7[%get3A_338, %get3A_339] {strides = array<i32>} : memref<50x256xi32, #tpu.memory_space<vmem>>, vector<16xi32>,
      %gather3A_341 = tpu.vector_load_idx %arg6[%get3A_340] : memref<100000xf32, #tpu.memory_space<vmem>>[vector<16xi32>], vector<16xf32>,
      %add3A_342 = arith.addf %add3A_334, %gather3A_341 : vector<16xf32>
      %mul3A_343 = arith.constant 16 : i32
      %mul3A_344 = arith.muli %add3A_73, %mul3A_343 : i32
      %get3A_345 = arith.constant 34 : i32
      %get3A_346 = arith.index_cast %get3A_345 : i32 to index
      %get3A_347 = arith.index_cast %mul3A_344 : i32 to index
      %get3A_348 = tpu.vector_load %arg7[%get3A_346, %get3A_347] {strides = array<i32>} : memref<50x256xi32, #tpu.memory_space<vmem>>, vector<16xi32>,
      %gather3A_349 = tpu.vector_load_idx %arg6[%get3A_348] : memref<100000xf32, #tpu.memory_space<vmem>>[vector<16xi32>], vector<16xf32>,
      %add3A_350 = arith.addf %add3A_342, %gather3A_349 : vector<16xf32>
      %mul3A_351 = arith.constant 16 : i32
      %mul3A_352 = arith.muli %add3A_73, %mul3A_351 : i32
      %get3A_353 = arith.constant 35 : i32
      %get3A_354 = arith.index_cast %get3A_353 : i32 to index
      %get3A_355 = arith.index_cast %mul3A_352 : i32 to index
      %get3A_356 = tpu.vector_load %arg7[%get3A_354, %get3A_355] {strides = array<i32>} : memref<50x256xi32, #tpu.memory_space<vmem>>, vector<16xi32>,
      %gather3A_357 = tpu.vector_load_idx %arg6[%get3A_356] : memref<100000xf32, #tpu.memory_space<vmem>>[vector<16xi32>], vector<16xf32>,
      %add3A_358 = arith.addf %add3A_350, %gather3A_357 : vector<16xf32>
      %mul3A_359 = arith.constant 16 : i32
      %mul3A_360 = arith.muli %add3A_73, %mul3A_359 : i32
      %get3A_361 = arith.constant 36 : i32
      %get3A_362 = arith.index_cast %get3A_361 : i32 to index
      %get3A_363 = arith.index_cast %mul3A_360 : i32 to index
      %get3A_364 = tpu.vector_load %arg7[%get3A_362, %get3A_363] {strides = array<i32>} : memref<50x256xi32, #tpu.memory_space<vmem>>, vector<16xi32>,
      %gather3A_365 = tpu.vector_load_idx %arg6[%get3A_364] : memref<100000xf32, #tpu.memory_space<vmem>>[vector<16xi32>], vector<16xf32>,
      %add3A_366 = arith.addf %add3A_358, %gather3A_365 : vector<16xf32>
      %mul3A_367 = arith.constant 16 : i32
      %mul3A_368 = arith.muli %add3A_73, %mul3A_367 : i32
      %get3A_369 = arith.constant 37 : i32
      %get3A_370 = arith.index_cast %get3A_369 : i32 to index
      %get3A_371 = arith.index_cast %mul3A_368 : i32 to index
      %get3A_372 = tpu.vector_load %arg7[%get3A_370, %get3A_371] {strides = array<i32>} : memref<50x256xi32, #tpu.memory_space<vmem>>, vector<16xi32>,
      %gather3A_373 = tpu.vector_load_idx %arg6[%get3A_372] : memref<100000xf32, #tpu.memory_space<vmem>>[vector<16xi32>], vector<16xf32>,
      %add3A_374 = arith.addf %add3A_366, %gather3A_373 : vector<16xf32>
      %mul3A_375 = arith.constant 16 : i32
      %mul3A_376 = arith.muli %add3A_73, %mul3A_375 : i32
      %get3A_377 = arith.constant 38 : i32
      %get3A_378 = arith.index_cast %get3A_377 : i32 to index
      %get3A_379 = arith.index_cast %mul3A_376 : i32 to index
      %get3A_380 = tpu.vector_load %arg7[%get3A_378, %get3A_379] {strides = array<i32>} : memref<50x256xi32, #tpu.memory_space<vmem>>, vector<16xi32>,
      %gather3A_381 = tpu.vector_load_idx %arg6[%get3A_380] : memref<100000xf32, #tpu.memory_space<vmem>>[vector<16xi32>], vector<16xf32>,
      %add3A_382 = arith.addf %add3A_374, %gather3A_381 : vector<16xf32>
      %mul3A_383 = arith.constant 16 : i32
      %mul3A_384 = arith.muli %add3A_73, %mul3A_383 : i32
      %get3A_385 = arith.constant 39 : i32
      %get3A_386 = arith.index_cast %get3A_385 : i32 to index
      %get3A_387 = arith.index_cast %mul3A_384 : i32 to index
      %get3A_388 = tpu.vector_load %arg7[%get3A_386, %get3A_387] {strides = array<i32>} : memref<50x256xi32, #tpu.memory_space<vmem>>, vector<16xi32>,
      %gather3A_389 = tpu.vector_load_idx %arg6[%get3A_388] : memref<100000xf32, #tpu.memory_space<vmem>>[vector<16xi32>], vector<16xf32>,
      %add3A_390 = arith.addf %add3A_382, %gather3A_389 : vector<16xf32>
      %mul3A_391 = arith.constant 16 : i32
      %mul3A_392 = arith.muli %add3A_73, %mul3A_391 : i32
      %get3A_393 = arith.constant 40 : i32
      %get3A_394 = arith.index_cast %get3A_393 : i32 to index
      %get3A_395 = arith.index_cast %mul3A_392 : i32 to index
      %get3A_396 = tpu.vector_load %arg7[%get3A_394, %get3A_395] {strides = array<i32>} : memref<50x256xi32, #tpu.memory_space<vmem>>, vector<16xi32>,
      %gather3A_397 = tpu.vector_load_idx %arg6[%get3A_396] : memref<100000xf32, #tpu.memory_space<vmem>>[vector<16xi32>], vector<16xf32>,
      %add3A_398 = arith.addf %add3A_390, %gather3A_397 : vector<16xf32>
      %mul3A_399 = arith.constant 16 : i32
      %mul3A_400 = arith.muli %add3A_73, %mul3A_399 : i32
      %get3A_401 = arith.constant 41 : i32
      %get3A_402 = arith.index_cast %get3A_401 : i32 to index
      %get3A_403 = arith.index_cast %mul3A_400 : i32 to index
      %get3A_404 = tpu.vector_load %arg7[%get3A_402, %get3A_403] {strides = array<i32>} : memref<50x256xi32, #tpu.memory_space<vmem>>, vector<16xi32>,
      %gather3A_405 = tpu.vector_load_idx %arg6[%get3A_404] : memref<100000xf32, #tpu.memory_space<vmem>>[vector<16xi32>], vector<16xf32>,
      %add3A_406 = arith.addf %add3A_398, %gather3A_405 : vector<16xf32>
      %mul3A_407 = arith.constant 16 : i32
      %mul3A_408 = arith.muli %add3A_73, %mul3A_407 : i32
      %get3A_409 = arith.constant 42 : i32
      %get3A_410 = arith.index_cast %get3A_409 : i32 to index
      %get3A_411 = arith.index_cast %mul3A_408 : i32 to index
      %get3A_412 = tpu.vector_load %arg7[%get3A_410, %get3A_411] {strides = array<i32>} : memref<50x256xi32, #tpu.memory_space<vmem>>, vector<16xi32>,
      %gather3A_413 = tpu.vector_load_idx %arg6[%get3A_412] : memref<100000xf32, #tpu.memory_space<vmem>>[vector<16xi32>], vector<16xf32>,
      %add3A_414 = arith.addf %add3A_406, %gather3A_413 : vector<16xf32>
      %mul3A_415 = arith.constant 16 : i32
      %mul3A_416 = arith.muli %add3A_73, %mul3A_415 : i32
      %get3A_417 = arith.constant 43 : i32
      %get3A_418 = arith.index_cast %get3A_417 : i32 to index
      %get3A_419 = arith.index_cast %mul3A_416 : i32 to index
      %get3A_420 = tpu.vector_load %arg7[%get3A_418, %get3A_419] {strides = array<i32>} : memref<50x256xi32, #tpu.memory_space<vmem>>, vector<16xi32>,
      %gather3A_421 = tpu.vector_load_idx %arg6[%get3A_420] : memref<100000xf32, #tpu.memory_space<vmem>>[vector<16xi32>], vector<16xf32>,
      %add3A_422 = arith.addf %add3A_414, %gather3A_421 : vector<16xf32>
      %mul3A_423 = arith.constant 16 : i32
      %mul3A_424 = arith.muli %add3A_73, %mul3A_423 : i32
      %get3A_425 = arith.constant 44 : i32
      %get3A_426 = arith.index_cast %get3A_425 : i32 to index
      %get3A_427 = arith.index_cast %mul3A_424 : i32 to index
      %get3A_428 = tpu.vector_load %arg7[%get3A_426, %get3A_427] {strides = array<i32>} : memref<50x256xi32, #tpu.memory_space<vmem>>, vector<16xi32>,
      %gather3A_429 = tpu.vector_load_idx %arg6[%get3A_428] : memref<100000xf32, #tpu.memory_space<vmem>>[vector<16xi32>], vector<16xf32>,
      %add3A_430 = arith.addf %add3A_422, %gather3A_429 : vector<16xf32>
      %mul3A_431 = arith.constant 16 : i32
      %mul3A_432 = arith.muli %add3A_73, %mul3A_431 : i32
      %get3A_433 = arith.constant 45 : i32
      %get3A_434 = arith.index_cast %get3A_433 : i32 to index
      %get3A_435 = arith.index_cast %mul3A_432 : i32 to index
      %get3A_436 = tpu.vector_load %arg7[%get3A_434, %get3A_435] {strides = array<i32>} : memref<50x256xi32, #tpu.memory_space<vmem>>, vector<16xi32>,
      %gather3A_437 = tpu.vector_load_idx %arg6[%get3A_436] : memref<100000xf32, #tpu.memory_space<vmem>>[vector<16xi32>], vector<16xf32>,
      %add3A_438 = arith.addf %add3A_430, %gather3A_437 : vector<16xf32>
      %mul3A_439 = arith.constant 16 : i32
      %mul3A_440 = arith.muli %add3A_73, %mul3A_439 : i32
      %get3A_441 = arith.constant 46 : i32
      %get3A_442 = arith.index_cast %get3A_441 : i32 to index
      %get3A_443 = arith.index_cast %mul3A_440 : i32 to index
      %get3A_444 = tpu.vector_load %arg7[%get3A_442, %get3A_443] {strides = array<i32>} : memref<50x256xi32, #tpu.memory_space<vmem>>, vector<16xi32>,
      %gather3A_445 = tpu.vector_load_idx %arg6[%get3A_444] : memref<100000xf32, #tpu.memory_space<vmem>>[vector<16xi32>], vector<16xf32>,
      %add3A_446 = arith.addf %add3A_438, %gather3A_445 : vector<16xf32>
      %mul3A_447 = arith.constant 16 : i32
      %mul3A_448 = arith.muli %add3A_73, %mul3A_447 : i32
      %get3A_449 = arith.constant 47 : i32
      %get3A_450 = arith.index_cast %get3A_449 : i32 to index
      %get3A_451 = arith.index_cast %mul3A_448 : i32 to index
      %get3A_452 = tpu.vector_load %arg7[%get3A_450, %get3A_451] {strides = array<i32>} : memref<50x256xi32, #tpu.memory_space<vmem>>, vector<16xi32>,
      %gather3A_453 = tpu.vector_load_idx %arg6[%get3A_452] : memref<100000xf32, #tpu.memory_space<vmem>>[vector<16xi32>], vector<16xf32>,
      %add3A_454 = arith.addf %add3A_446, %gather3A_453 : vector<16xf32>
      %mul3A_455 = arith.constant 16 : i32
      %mul3A_456 = arith.muli %add3A_73, %mul3A_455 : i32
      %get3A_457 = arith.constant 48 : i32
      %get3A_458 = arith.index_cast %get3A_457 : i32 to index
      %get3A_459 = arith.index_cast %mul3A_456 : i32 to index
      %get3A_460 = tpu.vector_load %arg7[%get3A_458, %get3A_459] {strides = array<i32>} : memref<50x256xi32, #tpu.memory_space<vmem>>, vector<16xi32>,
      %gather3A_461 = tpu.vector_load_idx %arg6[%get3A_460] : memref<100000xf32, #tpu.memory_space<vmem>>[vector<16xi32>], vector<16xf32>,
      %add3A_462 = arith.addf %add3A_454, %gather3A_461 : vector<16xf32>
      %mul3A_463 = arith.constant 16 : i32
      %mul3A_464 = arith.muli %add3A_73, %mul3A_463 : i32
      %get3A_465 = arith.constant 49 : i32
      %get3A_466 = arith.index_cast %get3A_465 : i32 to index
      %get3A_467 = arith.index_cast %mul3A_464 : i32 to index
      %get3A_468 = tpu.vector_load %arg7[%get3A_466, %get3A_467] {strides = array<i32>} : memref<50x256xi32, #tpu.memory_space<vmem>>, vector<16xi32>,
      %gather3A_469 = tpu.vector_load_idx %arg6[%get3A_468] : memref<100000xf32, #tpu.memory_space<vmem>>[vector<16xi32>], vector<16xf32>,
      %add3A_470 = arith.addf %add3A_462, %gather3A_469 : vector<16xf32>
      %get3A_471 = arith.constant 0 : index
      %get3A_472 = tpu.vector_load %arg9[%get3A_471] {strides = array<i32>} : memref<16xf32, #tpu.memory_space<vmem>>, vector<16xf32>,
      %mul3A_473 = arith.mulf %add3A_470, %get3A_472 : vector<16xf32>
      %mul3A_474 = arith.constant 16 : i32
      %mul3A_475 = arith.muli %add3A_73, %mul3A_474 : i32
      %swap3A_476 = arith.index_cast %mul3A_475 : i32 to index
      %swap3A_477 = tpu.vector_load %arg8[%swap3A_476] {strides = array<i32>} : memref<256xf32, #tpu.memory_space<vmem>>, vector<16xf32>,
      tpu.vector_store %arg8[%swap3A_476], %mul3A_473 {strides = array<i32>} : memref<256xf32, #tpu.memory_space<vmem>>, vector<16xf32>,
    }
    %scan3A_68 = arith.constant 16 : i32
    "tpu.region"() ({
      %run_scoped3A = tpu.sem_alloc : memref<!tpu.dma_semaphore, #tpu.memory_space<semaphore_mem>>
      %dma_start3A_69 = tpu.memref_slice %arg5[%select_n3A_9, %mul3A_32] : memref<2x4096xf32, #tpu.memory_space<hbm>> -> memref<1x256xf32, #tpu.memory_space<hbm>>
      %dma_start3A_70 = tpu.memref_squeeze %dma_start3A_69 : memref<1x256xf32, #tpu.memory_space<hbm>> -> memref<256xf32, #tpu.memory_space<hbm>>
      %dma_start3A_71 = tpu.memref_slice %arg5[%select_n3A_9, %mul3A_32] : memref<2x4096xf32, #tpu.memory_space<hbm>> -> memref<1x256xf32, #tpu.memory_space<hbm>>
      %dma_start3A_72 = tpu.memref_squeeze %dma_start3A_71 : memref<1x256xf32, #tpu.memory_space<hbm>> -> memref<256xf32, #tpu.memory_space<hbm>>
      tpu.enqueue_dma source(%arg8 : memref<256xf32, #tpu.memory_space<vmem>>) target(%dma_start3A_72 : memref<256xf32, #tpu.memory_space<hbm>>) target_semaphore(%run_scoped3A : memref<!tpu.dma_semaphore, #tpu.memory_space<semaphore_mem>>)
      %dma_wait3A_73 = tpu.memref_slice %arg5[%select_n3A_9, %mul3A_32] : memref<2x4096xf32, #tpu.memory_space<hbm>> -> memref<1x256xf32, #tpu.memory_space<hbm>>
      %dma_wait3A_74 = tpu.memref_squeeze %dma_wait3A_73 : memref<1x256xf32, #tpu.memory_space<hbm>> -> memref<256xf32, #tpu.memory_space<hbm>>
      %dma_wait3A_75 = tpu.memref_slice %arg5[%select_n3A_9, %mul3A_32] : memref<2x4096xf32, #tpu.memory_space<hbm>> -> memref<1x256xf32, #tpu.memory_space<hbm>>
      %dma_wait3A_76 = tpu.memref_squeeze %dma_wait3A_75 : memref<1x256xf32, #tpu.memory_space<hbm>> -> memref<256xf32, #tpu.memory_space<hbm>>
      tpu.wait_dma2 semaphore(%run_scoped3A : memref<!tpu.dma_semaphore, #tpu.memory_space<semaphore_mem>>) src(%arg8 : memref<256xf32, #tpu.memory_space<vmem>>) dst(%dma_wait3A_76 : memref<256xf32, #tpu.memory_space<hbm>>)
      tpu.yield
    }) : () -> ()
    return
  }
}

module attributes {stable_mosaic.version = 14 : i64} {
  func.func @_matmul_body(%arg0: i32, %arg1: memref<64x8xf32, #tpu.memory_space<vmem>>, %arg2: memref<64x100000xf32, #tpu.memory_space<vmem>>, %arg3: memref<100000xf32, #tpu.memory_space<vmem>>, %arg4: memref<100000xf32, #tpu.memory_space<vmem>>) attributes {dimension_semantics = [#tpu.dimension_semantics<arbitrary>], iteration_bounds = array<i64: 5>, scalar_prefetch = 0 : i64, scratch_operands = 0 : i64, tpu.core_type = #tpu.core_type<tc>, window_params = [{transform_indices = @transform_0, window_bounds = array<i64: 64, 8>}, {transform_indices = @transform_1, window_bounds = array<i64: 64, 100000>}, {pipeline_mode = #tpu.pipeline_mode<synchronous>, transform_indices = @transform_2, window_bounds = array<i64: 100000>}, {pipeline_mode = #tpu.pipeline_mode<synchronous>, transform_indices = @transform_3, window_bounds = array<i64: 100000>}]} {
    %get3A = arith.constant 0 : index
    %get3A_0 = arith.constant 0 : index
    %get3A_1 = vector.load %arg1[%get3A, %get3A_0] : memref<64x8xf32, #tpu.memory_space<vmem>>, vector<64x8xf32>
    %get3A_2 = arith.constant 0 : index
    %get3A_3 = arith.constant 0 : index
    %get3A_4 = vector.load %arg2[%get3A_2, %get3A_3] : memref<64x100000xf32, #tpu.memory_space<vmem>>, vector<64x100000xf32>
    %dot_general3A = arith.constant dense<0.000000e+00> : vector<8x100000xf32>
    %dot_general3A_5 = tpu.matmul %get3A_1, %get3A_4, %dot_general3A {dimension_numbers = #tpu.dot_dimension_numbers<[0], [0], [1], [1], [0, 1, 1, 1], [], []>, transpose_lhs_hint = false} : vector<64x8xf32>, vector<64x100000xf32>, vector<8x100000xf32> -> vector<8x100000xf32>
    %eq3A = arith.constant 0 : i32
    %eq3A_6 = arith.cmpi eq, %arg0, %eq3A : i32
    %convert_element_type3A = arith.extui %eq3A_6 : i1 to i32
    %cond3A = arith.constant 0 : i32
    %cond3A_7 = arith.cmpi ne, %convert_element_type3A, %cond3A : i32
    scf.if %cond3A_7 {
      %slice3A = vector.extract_strided_slice %dot_general3A_5 {offsets = [0, 0], sizes = [1, 100000], strides = [1, 1]} : vector<8x100000xf32> to vector<1x100000xf32>
      %squeeze3A = vector.shape_cast %slice3A : vector<1x100000xf32> to vector<100000xf32>
      %swap3A = arith.constant 0 : index
      %swap3A_12 = vector.load %arg3[%swap3A] : memref<100000xf32, #tpu.memory_space<vmem>>, vector<100000xf32>
      tpu.vector_store %arg3[%swap3A], %squeeze3A {strides = array<i32>} : memref<100000xf32, #tpu.memory_space<vmem>>, vector<100000xf32>,
      %slice3A_13 = vector.extract_strided_slice %dot_general3A_5 {offsets = [1, 0], sizes = [1, 100000], strides = [1, 1]} : vector<8x100000xf32> to vector<1x100000xf32>
      %squeeze3A_14 = vector.shape_cast %slice3A_13 : vector<1x100000xf32> to vector<100000xf32>
      %swap3A_15 = arith.constant 0 : index
      %swap3A_16 = vector.load %arg4[%swap3A_15] : memref<100000xf32, #tpu.memory_space<vmem>>, vector<100000xf32>
      tpu.vector_store %arg4[%swap3A_15], %squeeze3A_14 {strides = array<i32>} : memref<100000xf32, #tpu.memory_space<vmem>>, vector<100000xf32>,
    } else {
    }
    %gt3A = arith.constant 0 : i32
    %gt3A_8 = arith.cmpi sgt, %arg0, %gt3A : i32
    %convert_element_type3A_9 = arith.extui %gt3A_8 : i1 to i32
    %cond3A_10 = arith.constant 0 : i32
    %cond3A_11 = arith.cmpi ne, %convert_element_type3A_9, %cond3A_10 : i32
    scf.if %cond3A_11 {
      %get3A_12 = arith.constant 0 : index
      %get3A_13 = vector.load %arg3[%get3A_12] : memref<100000xf32, #tpu.memory_space<vmem>>, vector<100000xf32>
      %slice3A = vector.extract_strided_slice %dot_general3A_5 {offsets = [0, 0], sizes = [1, 100000], strides = [1, 1]} : vector<8x100000xf32> to vector<1x100000xf32>
      %squeeze3A = vector.shape_cast %slice3A : vector<1x100000xf32> to vector<100000xf32>
      %add3A = arith.addf %get3A_13, %squeeze3A : vector<100000xf32>
      %swap3A = arith.constant 0 : index
      %swap3A_14 = vector.load %arg3[%swap3A] : memref<100000xf32, #tpu.memory_space<vmem>>, vector<100000xf32>
      tpu.vector_store %arg3[%swap3A], %add3A {strides = array<i32>} : memref<100000xf32, #tpu.memory_space<vmem>>, vector<100000xf32>,
      %get3A_15 = arith.constant 0 : index
      %get3A_16 = vector.load %arg4[%get3A_15] : memref<100000xf32, #tpu.memory_space<vmem>>, vector<100000xf32>
      %slice3A_17 = vector.extract_strided_slice %dot_general3A_5 {offsets = [1, 0], sizes = [1, 100000], strides = [1, 1]} : vector<8x100000xf32> to vector<1x100000xf32>
      %squeeze3A_18 = vector.shape_cast %slice3A_17 : vector<1x100000xf32> to vector<100000xf32>
      %add3A_19 = arith.addf %get3A_16, %squeeze3A_18 : vector<100000xf32>
      %swap3A_20 = arith.constant 0 : index
      %swap3A_21 = vector.load %arg4[%swap3A_20] : memref<100000xf32, #tpu.memory_space<vmem>>, vector<100000xf32>
      tpu.vector_store %arg4[%swap3A_20], %add3A_19 {strides = array<i32>} : memref<100000xf32, #tpu.memory_space<vmem>>, vector<100000xf32>,
    } else {
    }
    return
  }
  func.func @transform_0(%arg0: i32) -> (i32, i32) {
    %c0_i32 = arith.constant 0 : i32
    %c0_i32_0 = arith.constant 0 : i32
    return %arg0, %c0_i32 : i32, i32
  }
  func.func @transform_1(%arg0: i32) -> (i32, i32) {
    %c0_i32 = arith.constant 0 : i32
    %c0_i32_0 = arith.constant 0 : i32
    return %arg0, %c0_i32 : i32, i32
  }
  func.func @transform_2(%arg0: i32) -> i32 {
    %c0_i32 = arith.constant 0 : i32
    %c0_i32_0 = arith.constant 0 : i32
    return %c0_i32 : i32
  }
  func.func @transform_3(%arg0: i32) -> i32 {
    %c0_i32 = arith.constant 0 : i32
    %c0_i32_0 = arith.constant 0 : i32
    return %c0_i32 : i32
  }
}

</mosaic_0001>

<sc_bundles>
// kernel: kernel.4.cloned.1.call-start
scs
__scs_entry_jumppad:
0x0: {  	(pc) =	sbr.rel $0x88, $3  }
0x1: {  	(tag) =	ssettag $0x0;
	lr =	simm.s32 $0x1  }
0x2: {  	[smem:$0x3F9E] =	sst lr;
	_ =	strace $0xD0000000  }
0x3: {  	_ = 	snop  }
0x4: {  	_ = 	snop  }
0x5: {  	_ = 	snop  }
0x6: {  	_ = 	snop  }
0x7: {  	_ = 	snop  }
__scs_overlays_trampoline_lowered:
0x8: {  	[smem:$0x3FAD] =	sst s0  }
0x9: {  	[smem:$0x3FAE] =	sst s1  }
0xa: {  	[smem:$0x3FAF] =	sst s2  }
0xb: {  	[smem:$0x3FB0] =	sst s3  }
0xc: {  	[smem:$0x3FB1] =	sst s4  }
0xd: {  	[smem:$0x3FB2] =	sst s5  }
0xe: {  	[smem:$0x3FB3] =	sst s6  }
0xf: {  	[smem:$0x3FB4] =	sst s7  }
0x10: {  	[smem:$0x3FB5] =	sst s8  }
0x11: {  	[smem:$0x3FB6] =	sst s9;
	s0 =	simm.s32 @!p0 $0x0  }
0x12: {  	s1 =	sld [smem:$0x3F9C];
	s0 =	simm.s32 @p0 $0x1  }
0x13: {  	[smem:$0x3FB7] =	sst s0;
	s0 =	simm.s32 @!p1 $0x0  }
0x14: {  	s2 =	sld [smem:$0x3F9B];
	s0 =	simm.s32 @p1 $0x1  }
0x15: {  	[smem:$0x3FB8] =	sst s0;
	s0 =	simm.s32 @!p2 $0x0  }
0x16: {  	s3 =	sld [smem:$0x3FDB];
	s0 =	simm.s32 @p2 $0x1  }
0x17: {  	s4 =	simm.s32 $0x1BF5;
	[smem:$0x3FBA] =	sst s0  }
0x18: {  	s0 =	sld [smem:$0x3F9D];
	_ =	swait.ge [sflag:s4], $0x0  }
0x19: {  	s7 =	sld [smem:$0x3F9E]  }
0x1a: {  	s8 =	sadd.s32 $0xFFFFE003, lr  }
0x1b: {  	s9 =	sadd.s32 $0xFFFFFEF7, lr;
	s5 =	simm.s32 $0xFFFFFFFF;
	p2 =	slt.u32 s8, $0xFFFFF086  }
0x1c: {  	p1 =	slt.u32 s9, $0xF7A;
	s5 =	simm.s32 @!p2 $0x0  }
0x1d: {  	s5 =	simm.s32 @p1 $0x1;
	p0 =	seq.s32 s7, s2  }
0x1e: {  	s7 =	smul.u32 @!p0 $0xF7A, s2;
	p2 =	seq.s32 @!p0 s5, $0x0  }
0x1f: {  	s9 =	smul.u32 $0xF7A, s1;
	s8 =	simm.s32 @!p0 $0x1BF5;
	p2 =	por !p2, p0  }
0x20: {  	[sflag:s8] =	ssyncset.s32 @!p0 $0xFFFFF086;
	s6 =	sadd.s32 @!p0 s3, s7;
	s7 =	simm.s32 @!p0 $0x108  }
0x21: {  	s3 =	sadd.s32 s3, s9;
	s6 =	sadd.s32 @!p0 $0x88, s6;
	s7 =	simm.s32 @p2 $0x1082  }
0x22: {  	[simem:s7], [sflag:s8] =	dma.local @!p0 [hbm:s6], $0xF7A  }
0x23: {  	s9 =	sor.u32 $0xD0000000, s2;
	s6 =	simm.s32 $0x108;
	_ =	swait.ge @!p0 [sflag:s8], $0x0  }
0x24: {  	s3 =	sadd.s32 $0x88, s3;
	s6 =	simm.s32 @!p1 $0x1082;
	[sflag:s4] =	ssyncset.s32 $0xFFFFF086  }
0x25: {  	[simem:s6], [sflag:s4] =	dma.local [hbm:s3], $0xF7A  }
0x26: {  	[smem:$0x3F9E] =	sst s1;
	(tag) =	ssettag s2;
	_ =	strace s9  }
0x27: {  	s1 =	sld [smem:$0x3FAE]  }
0x28: {  	s2 =	sld [smem:$0x3FAF]  }
0x29: {  	s4 =	sld [smem:$0x3FB1]  }
0x2a: {  	p0 =	seq.s32 s5, $0x0;
	s5 =	sld [smem:$0x3FB2]  }
0x2b: {  	s6 =	sld [smem:$0x3FB3]  }
0x2c: {  	s7 =	sld [smem:$0x3FB4]  }
0x2d: {  	s3 =	simm.s32 $0x108;
	s8 =	sld [smem:$0x3FB5]  }
0x2e: {  	s3 =	simm.s32 @!p0 $0x1082;
	s9 =	sld [smem:$0x3FB6]  }
0x2f: {  	lr =	sadd.s32 s0, s3;
	s0 =	sld [smem:$0x3FAD]  }
0x30: {  	s3 =	sld [smem:$0x3FB0]  }
0x31: {  	[smem:$0x3FB9] =	sst s10  }
0x32: {  	s10 =	sld [smem:$0x3FB7];
	_ =	sdelay $0x3  }
0x33: {  	p0 =	seq.s32 s10, $0x1;
	s10 =	sld [smem:$0x3FB9];
	_ =	sdelay $0x3  }
0x34: {  	[smem:$0x3FB9] =	sst s10  }
0x35: {  	s10 =	sld [smem:$0x3FB8];
	_ =	sdelay $0x3  }
0x36: {  	p1 =	seq.s32 s10, $0x1;
	s10 =	sld [smem:$0x3FB9];
	_ =	sdelay $0x3  }
0x37: {  	[smem:$0x3FB9] =	sst s10  }
0x38: {  	s10 =	sld [smem:$0x3FBA]  }
0x39: {  	_ = 	snop;
	(pc) =	sbr.ind lr, $3  }
0x3a: {  	_ = 	snop  }
0x3b: {  	_ = 	snop  }
0x3c: {  	p2 =	seq.s32 s10, $0x1;
	s10 =	sld [smem:$0x3FB9]  }
0x3d: {  	_ =	shalt  }
0x3e: {  	_ =	shalt  }
0x3f: {  	_ =	shalt  }
0x40: {  	_ =	shalt  }
0x41: {  	_ =	shalt  }
0x42: {  	_ =	shalt  }
0x43: {  	_ =	shalt  }
0x44: {  	_ =	shalt  }
0x45: {  	_ =	shalt  }
0x46: {  	_ =	shalt  }
0x47: {  	_ =	shalt  }
0x48: {  	_ =	shalt  }
0x49: {  	_ =	shalt  }
0x4a: {  	_ =	shalt  }
0x4b: {  	_ =	shalt  }
0x4c: {  	_ =	shalt  }
0x4d: {  	_ =	shalt  }
0x4e: {  	_ =	shalt  }
0x4f: {  	_ =	shalt  }
0x50: {  	_ =	shalt  }
0x51: {  	_ =	shalt  }
0x52: {  	_ =	shalt  }
0x53: {  	_ =	shalt  }
0x54: {  	_ =	shalt  }
0x55: {  	_ =	shalt  }
0x56: {  	_ =	shalt  }
0x57: {  	_ =	shalt  }
0x58: {  	_ =	shalt  }
0x59: {  	_ =	shalt  }
0x5a: {  	_ =	shalt  }
0x5b: {  	_ =	shalt  }
0x5c: {  	_ =	shalt  }
0x5d: {  	_ =	shalt  }
0x5e: {  	_ =	shalt  }
0x5f: {  	_ =	shalt  }
0x60: {  	_ =	shalt  }
0x61: {  	_ =	shalt  }
0x62: {  	_ =	shalt  }
0x63: {  	_ =	shalt  }
0x64: {  	_ =	shalt  }
0x65: {  	_ =	shalt  }
0x66: {  	_ =	shalt  }
0x67: {  	_ =	shalt  }
0x68: {  	_ =	shalt  }
0x69: {  	_ =	shalt  }
0x6a: {  	_ =	shalt  }
0x6b: {  	_ =	shalt  }
0x6c: {  	_ =	shalt  }
0x6d: {  	_ =	shalt  }
0x6e: {  	_ =	shalt  }
0x6f: {  	_ =	shalt  }
0x70: {  	_ =	shalt  }
0x71: {  	_ =	shalt  }
0x72: {  	_ =	shalt  }
0x73: {  	_ =	shalt  }
0x74: {  	_ =	shalt  }
0x75: {  	_ =	shalt  }
0x76: {  	_ =	shalt  }
0x77: {  	_ =	shalt  }
0x78: {  	_ =	shalt  }
0x79: {  	_ =	shalt  }
0x7a: {  	_ =	shalt  }
0x7b: {  	_ =	shalt  }
0x7c: {  	_ =	shalt  }
0x7d: {  	_ =	shalt  }
0x7e: {  	_ =	shalt  }
0x7f: {  	_ =	shalt  }
0x80: {  	_ =	shalt  }
0x81: {  	_ =	shalt  }
0x82: {  	_ =	shalt  }
0x83: {  	_ =	shalt  }
0x84: {  	_ =	shalt  }
0x85: {  	_ =	shalt  }
0x86: {  	_ =	shalt  }
0x87: {  	_ =	shalt  }
.Lfunc_end0:
.L_simem_size_0:
called_computation_lowered:
.L_overlay_start_0:
0x88: {  	s2 =	sld [smem:$0x3FD9]  }
0x89: {  	s3 =	sld [smem:$0x3FFE];
	_ =	sdelay $0x1  }
0x8a: {  	s1 =	srdreg.scid  }
0x8b: {  	s0 =	sand.u32 $0x1, s1  }
0x8c: {  	s16 =	sshll.u32 s0, $0xA;
	s2 =	sadd.s32 s3, s2  }
0x8d: {  	s2 =	sadd.s32 s2, s16  }
0x8e: {  	[smem:$0x3FC5] =	sst s2  }
0x8f: {  	_ = 	snop  }
0x90: {  	(tm) =	ssettm $0x1  }
0x91: {  	s17 =	sld [smem:$0x3FFB];
	_ =	sdelay $0x3  }
0x92: {  	_ =	strace s17  }
0x93: {  	s2 =	sld [smem:$0x3FFC];
	_ =	sdelay $0x3  }
0x94: {  	_ =	strace s2  }
0x95: {  	s2 =	sld [smem:$0x3FFD];
	_ =	sdelay $0x3  }
0x96: {  	_ =	strace s2  }
0x97: {  	_ =	strace $0x8FFFFFFF  }
0x98: {  	s18 =	sld [smem:$0x3FDB];
	_ =	sdelay $0x1  }
0x99: {  	s19 =	simm.s32 $_scs_section_size  }
0x9a: {  	s4 =	simm.s32 $_size__tile_overlayer_lowered;
	s5 =	simm.s32 $_tile_overlayer_lowered  }
0x9b: {  	s22 =	simm.s32 $0x1BFF;
	s21 =	sshll.u32 s5, $0x1;
	s2 =	sadd.s32 s19, s18  }
0x9c: {  	s6 =	simm.s32 $0x0;
	s20 =	sshll.u32 s4, $0x1;
	s4 =	sadd.s32 s21, s2  }
0x9d: {  	[timem:s6], [sflag:s22] =	dma.local [hbm:s4], s20  }
0x9e: {  	_ =	swait.ge [sflag:s22], s20  }
0x9f: {  	s3 =	ssub.s32 $0x0, s20;
	[sflag:s22] =	ssyncset.done $0x0  }
0xa0: {  	[sflag:s22] =	ssyncadd.s32 s3;
	_ =	sdelay $0x1  }
0xa1: {  	s23 =	simm.s32 $0x1B8B  }
0xa2: {  	_ =	swait.ge [sflag:s23], $0x1  }
0xa3: {  	[sflag:s23] =	ssyncset.done $0x0  }
0xa4: {  	s25 =	simm.s32 $0x1B8E;
	s24 =	sld [smem:$0x3FFE];
	[sflag:s23] =	ssyncadd.s32 $0xFFFFFFFF  }
0xa5: {  	s26 =	simm.s32 $execute0_lowered;
	[smem:$0x3FD2] =	sst s25  }
0xa6: {  	s4 =	sshll.u32 s26, $0x1;
	_ =	strace $0x80000046;
	[dreg:$0x1] =	wrdreg $0xFFFFFFFF  }
0xa7: {  	s28 =	simm.s32 $_size_execute0_lowered;
	s2 =	sadd.s32 s2, s4;
	[dreg:$0x0] =	wrdreg $0x0  }
0xa8: {  	s4 =	sshll.u32 s28, $0x1;
	[dreg:$0x2] =	wrdreg s2  }
0xa9: {  	[dreg:$0x3] =	wrdreg s4  }
0xaa: {  	[dreg:$0x4] =	wrdreg $0xC0  }
0xab: {  	_ =	task [dreg:s6], $0x5FFFF  }
0xac: {  	[dreg:$0x1] =	wrdreg $0xFFFFFFFF  }
0xad: {  	[dreg:$0x0] =	wrdreg $0x60  }
0xae: {  	[dreg:$0x2] =	wrdreg s24  }
0xaf: {  	[dreg:$0x3] =	wrdreg $0x9  }
0xb0: {  	_ =	task.clear_ibuf [dreg:s6], $0x4FFFF;
	_ =	strace $0x90000046  }
0xb1: {  	s29 =	simm.s32 $0x9;
	_ =	strace $0x80000048  }
0xb2: {  	_ =	swait.ge [sflag:s29], $0x1  }
0xb3: {  	[sflag:s29] =	ssyncadd.s32 $0xFFFFFFFF  }
0xb4: {  	_ =	strace $0x90000048  }
0xb5: {  	_ =	sfence  }
0xb6: {  	s30 =	sld [smem:$0x0];
	_ =	sdelay $0x2  }
0xb7: {  	s31 =	sshll.u32 s1, $0xD;
	s1 =	sshrl.u32 s1, $0x2  }
0xb8: {  	s3 =	sand.u32 $0x4000, s31;
	s1 =	sadd.s32 s1, s30  }
0xb9: {  	s0 =	sor.u32 s3, s0;
	s1 =	sshll.u32 s1, $0x11  }
0xba: {  	s0 =	sor.u32 s1, s0  }
0xbb: {  	s0 =	sadd.s32 $0x8F2B, s0  }
0xbc: {  	[sflag:s0] =	ssyncadd.remote.s32 $0x1  }
0xbd: {  	_ =	sfence.sel $0xFFFF  }
0xbe: {  	[dreg:$0x0] =	wrdreg $0xFFFFFFFF;
	(pc) =	sbr.abs _section_cstart, $3  }
0xbf: {  	[dreg:$0x1] =	wrdreg $0xFFFFFFFF  }
0xc0: {  	_ =	task.clear_ibuf [dreg:s6], $0x2FFFF;
	_ =	strace $0x9FFFFFFF  }
0xc1: {  	(tm) =	ssettm $0x7FFFFFFF  }
tec
execute0_lowered:
.L_overlay_start_1:
0x0: {  	(tag) =	ssettag $0x1  }
0x1: {  	s1 =	srdreg.scid  }
0x2: {  	s0 =	stileid.u32;
	s8 =	rddreg [dreg:$0x0]  }
0x3: {  	s2 =	simm.s32 $0x0;
	s5 =	simm.s32 $0x1;
	s13 =	simm.s32 $0x186A0  }
0x4: {  	s14 =	simm.s32 $0x3;
	s15 =	simm.s32 $0x2;
	s16 =	simm.s32 $0x1B8A0  }
0x5: {  	s17 =	simm.s32 $0x4;
	s18 =	simm.s32 $0xC350;
	s12 =	sand.u32 $0x1, s1  }
0x6: {  	s19 =	simm.s32 $0x0;
	[smem:$0x7FF] =	sst s2;
	s1 =	sor.u32 s12, s0  }
0x7: {  	s3 =	sadd.s32 $0x7E00, s8;
	p0 =	seq.s32 s12, $0x1;
	p1 =	seq.s32 s1, $0x0  }
0x8: {  	s4 =	sadd.s32 $0xB000, s8;
	s31 =	ssub.s32 $0x2, s12;
	p1 =	por !p1, !p0  }
0x9: {  	s7 =	sshll.u32 s12, $0xC;
	s10 =	sshrl.u32 s31, $0x1;
	p1 =	por !p1, !p1  }
0xa: {  	s1 =	rddreg [dreg:$0x1];
	s10 =	ssub.s32 s31, s10;
	s5 =	simm.s32 @!p1 $0x0  }
0xb: {  	_ =	strace $0x80000047;
	s10 =	smax.u32 s10, $0x1;
	s6 =	ssub.s32 s0, s5  }
0xc: {  	p1 =	seq.s32 @!p0 s12, $0x0;
	s12 =	simm.s32 $0x1000;
	s6 =	sshll.u32 s6, $0x8  }
0xd: {  	s5 =	simm.s32 $0x1;
	s9 =	sshrl.u32 s6, $0x3;
	s6 =	sadd.s32 s7, s6  }
0xe: {  	p1 =	por p0, !p1;
	s9 =	sadd.s32 s9, s8;
	s6 =	sshrl.u32 s6, $0x3  }
0xf: {  	s7 =	sadd.s32 $0x966A, s8;
	s11 =	sadd.s32 s6, s8;
	s6 =	sadd.s32 $0x600, s9  }
0x10: {  	v0 =	vimm.f32 $1.999999960e-02;
	s8 =	sadd.s32 $0xC86A, s8;
	s9 =	sadd.s32 $0x6A00, s11;
	s11 =	simm.s32 $0x100  }
.LBB2_1:
0x11: {  	[tilespmem:s13], [sflag:$0x3] =	stream.strided.gather [hbm4b:s6+s11], $0x3200, s12, s11, $0x38;
	[tilespmem:$0x1B9B0] =	vst v63  }
0x12: {  	s20 =	simm.s32 @!p0 $0x0  }
0x13: {  	[tilespmem:s20], [sflag:$0x1] =	stream.linear.gather @!p0 [hbm4b:s3+s20], $0xC350, $0x38;
	[tilespmem:$0x1B9B0] =	vst v63  }
0x14: {  	s21 =	simm.s32 @!p0 $0xC350  }
0x15: {  	[tilespmem:s21], [sflag:$0x2] =	stream.linear.gather @!p0 [hbm4b:s7+s20], $0xC350, $0x38;
	[tilespmem:$0x1B9B0] =	vst v63  }
0x16: {  	_ = 	snop  }
0x17: {  	[tilespmem:s2], [sflag:$0x1] =	stream.linear.gather @p1 [hbm4b:s4+s2], $0xC350, $0x38;
	[tilespmem:$0x1B9B0] =	vst v63  }
0x18: {  	_ = 	snop  }
0x19: {  	[tilespmem:s18], [sflag:$0x2] =	stream.linear.gather @p1 [hbm4b:s8+s2], $0xC350, $0x38;
	[tilespmem:$0x1B9B0] =	vst v63  }
0x1a: {  	[tilespmem:$0x1B9A0] =	vst v0  }
0x1b: {  	_ =	swait.ge [sflag:s14], $0x3200  }
0x1c: {  	[sflag:s14] =	ssyncset.done $0x0  }
0x1d: {  	[sflag:s14] =	ssyncadd.s32 $0xFFFFCE00  }
0x1e: {  	_ =	swait.ge [sflag:s5], $0xC350  }
0x1f: {  	[sflag:s5] =	ssyncset.done $0x0  }
0x20: {  	[sflag:s5] =	ssyncadd.s32 $0xFFFF3CB0  }
0x21: {  	_ =	swait.ge [sflag:s15], $0xC350  }
0x22: {  	[sflag:s15] =	ssyncset.done $0x0  }
0x23: {  	s20 =	simm.s32 $0x0;
	[sflag:s15] =	ssyncadd.s32 $0xFFFF3CB0  }
0x24: {  	v1 =	vld [tilespmem:s20+$0x187A0]  }
0x25: {  	v2 =	vld [tilespmem:s20+$0x186A0];
	_ =	sdelay $0x1  }
0x26: {  	v3 =	vld [tilespmem:s20+$0x188A0];
	_ =	sdelay $0x1  }
0x27: {  	v4 =	vld [tilespmem:s20+$0x189A0]  }
0x28: {  	v5 =	vld [tilespmem:s20+$0x18BA0]  }
0x29: {  	v6 =	vld [tilespmem:s20+$0x18AA0]  }
0x2a: {  	v1 =	vld.idx.msk [tilespmem:v1+s2+$0x0], $0xffff  }
0x2b: {  	v2 =	vld.idx.msk [tilespmem:v2+s2+$0x0], $0xffff  }
0x2c: {  	v7 =	vld [tilespmem:s20+$0x18CA0]  }
0x2d: {  	v3 =	vld.idx.msk [tilespmem:v3+s2+$0x0], $0xffff  }
0x2e: {  	v8 =	vld [tilespmem:s20+$0x18DA0]  }
0x2f: {  	v4 =	vld.idx.msk [tilespmem:v4+s2+$0x0], $0xffff  }
0x30: {  	v9 =	vld [tilespmem:s20+$0x18EA0];
	v1 =	vadd.f32 v1, v2  }
0x31: {  	v2 =	vld.idx.msk [tilespmem:v6+s2+$0x0], $0xffff  }
0x32: {  	v6 =	vld [tilespmem:s20+$0x18FA0];
	v1 =	vadd.f32 v3, v1  }
0x33: {  	v3 =	vld.idx.msk [tilespmem:v5+s2+$0x0], $0xffff  }
0x34: {  	v5 =	vld [tilespmem:s20+$0x190A0];
	v1 =	vadd.f32 v4, v1  }
0x35: {  	v4 =	vld.idx.msk [tilespmem:v7+s2+$0x0], $0xffff  }
0x36: {  	v7 =	vld [tilespmem:s20+$0x191A0];
	v1 =	vadd.f32 v2, v1  }
0x37: {  	v2 =	vld.idx.msk [tilespmem:v8+s2+$0x0], $0xffff  }
0x38: {  	v48 =	vld [tilespmem:s20+$0x192A0];
	v1 =	vadd.f32 v3, v1  }
0x39: {  	v3 =	vld.idx.msk [tilespmem:v9+s2+$0x0], $0xffff  }
0x3a: {  	v49 =	vld [tilespmem:s20+$0x193A0];
	v1 =	vadd.f32 v4, v1  }
0x3b: {  	v4 =	vld.idx.msk [tilespmem:v6+s2+$0x0], $0xffff  }
0x3c: {  	v6 =	vld [tilespmem:s20+$0x194A0];
	v1 =	vadd.f32 v2, v1  }
0x3d: {  	v2 =	vld.idx.msk [tilespmem:v5+s2+$0x0], $0xffff  }
0x3e: {  	v5 =	vld [tilespmem:s20+$0x195A0];
	v1 =	vadd.f32 v3, v1  }
0x3f: {  	v3 =	vld.idx.msk [tilespmem:v7+s2+$0x0], $0xffff  }
0x40: {  	v7 =	vld [tilespmem:s20+$0x196A0];
	v1 =	vadd.f32 v4, v1  }
0x41: {  	v4 =	vld.idx.msk [tilespmem:v48+s2+$0x0], $0xffff  }
0x42: {  	v50 =	vld [tilespmem:s20+$0x197A0];
	v1 =	vadd.f32 v2, v1  }
0x43: {  	v2 =	vld.idx.msk [tilespmem:v49+s2+$0x0], $0xffff  }
0x44: {  	v51 =	vld [tilespmem:s20+$0x198A0];
	v1 =	vadd.f32 v3, v1  }
0x45: {  	v3 =	vld.idx.msk [tilespmem:v6+s2+$0x0], $0xffff  }
0x46: {  	v6 =	vld [tilespmem:s20+$0x199A0];
	v1 =	vadd.f32 v4, v1  }
0x47: {  	v4 =	vld.idx.msk [tilespmem:v5+s2+$0x0], $0xffff  }
0x48: {  	v5 =	vld [tilespmem:s20+$0x19AA0];
	v1 =	vadd.f32 v2, v1  }
0x49: {  	v2 =	vld.idx.msk [tilespmem:v7+s2+$0x0], $0xffff  }
0x4a: {  	v7 =	vld [tilespmem:s20+$0x19BA0];
	v1 =	vadd.f32 v3, v1  }
0x4b: {  	v3 =	vld.idx.msk [tilespmem:v50+s2+$0x0], $0xffff  }
0x4c: {  	v52 =	vld [tilespmem:s20+$0x19CA0];
	v1 =	vadd.f32 v4, v1  }
0x4d: {  	v4 =	vld.idx.msk [tilespmem:v51+s2+$0x0], $0xffff  }
0x4e: {  	v53 =	vld [tilespmem:s20+$0x19DA0];
	v1 =	vadd.f32 v2, v1  }
0x4f: {  	v2 =	vld.idx.msk [tilespmem:v6+s2+$0x0], $0xffff  }
0x50: {  	v6 =	vld [tilespmem:s20+$0x19EA0];
	v1 =	vadd.f32 v3, v1  }
0x51: {  	v3 =	vld.idx.msk [tilespmem:v5+s2+$0x0], $0xffff  }
0x52: {  	v5 =	vld [tilespmem:s20+$0x19FA0];
	v1 =	vadd.f32 v4, v1  }
0x53: {  	v4 =	vld.idx.msk [tilespmem:v7+s2+$0x0], $0xffff  }
0x54: {  	v7 =	vld [tilespmem:s20+$0x1A0A0];
	v1 =	vadd.f32 v2, v1  }
0x55: {  	v2 =	vld.idx.msk [tilespmem:v52+s2+$0x0], $0xffff  }
0x56: {  	v54 =	vld [tilespmem:s20+$0x1A1A0];
	v1 =	vadd.f32 v3, v1  }
0x57: {  	v3 =	vld.idx.msk [tilespmem:v53+s2+$0x0], $0xffff  }
0x58: {  	v55 =	vld [tilespmem:s20+$0x1A2A0];
	v1 =	vadd.f32 v4, v1  }
0x59: {  	v4 =	vld.idx.msk [tilespmem:v6+s2+$0x0], $0xffff  }
0x5a: {  	v6 =	vld [tilespmem:s20+$0x1A3A0];
	v1 =	vadd.f32 v2, v1  }
0x5b: {  	v2 =	vld.idx.msk [tilespmem:v5+s2+$0x0], $0xffff  }
0x5c: {  	v5 =	vld [tilespmem:s20+$0x1A4A0];
	v1 =	vadd.f32 v3, v1  }
0x5d: {  	v3 =	vld.idx.msk [tilespmem:v7+s2+$0x0], $0xffff  }
0x5e: {  	v7 =	vld [tilespmem:s20+$0x1A5A0];
	v1 =	vadd.f32 v4, v1  }
0x5f: {  	v4 =	vld.idx.msk [tilespmem:v54+s2+$0x0], $0xffff  }
0x60: {  	v56 =	vld [tilespmem:s20+$0x1A6A0];
	v1 =	vadd.f32 v2, v1  }
0x61: {  	v2 =	vld.idx.msk [tilespmem:v55+s2+$0x0], $0xffff  }
0x62: {  	v57 =	vld [tilespmem:s20+$0x1A7A0];
	v1 =	vadd.f32 v3, v1  }
0x63: {  	v3 =	vld.idx.msk [tilespmem:v6+s2+$0x0], $0xffff  }
0x64: {  	v6 =	vld [tilespmem:s20+$0x1A8A0];
	v1 =	vadd.f32 v4, v1  }
0x65: {  	v4 =	vld.idx.msk [tilespmem:v5+s2+$0x0], $0xffff  }
0x66: {  	v5 =	vld [tilespmem:s20+$0x1A9A0];
	v1 =	vadd.f32 v2, v1  }
0x67: {  	v2 =	vld.idx.msk [tilespmem:v7+s2+$0x0], $0xffff  }
0x68: {  	v7 =	vld [tilespmem:s20+$0x1AAA0];
	v1 =	vadd.f32 v3, v1  }
0x69: {  	v3 =	vld.idx.msk [tilespmem:v56+s2+$0x0], $0xffff  }
0x6a: {  	v58 =	vld [tilespmem:s20+$0x1ABA0];
	v1 =	vadd.f32 v4, v1  }
0x6b: {  	v4 =	vld.idx.msk [tilespmem:v57+s2+$0x0], $0xffff  }
0x6c: {  	v59 =	vld [tilespmem:s20+$0x1ACA0];
	v1 =	vadd.f32 v2, v1  }
0x6d: {  	v2 =	vld.idx.msk [tilespmem:v6+s2+$0x0], $0xffff  }
0x6e: {  	v6 =	vld [tilespmem:s20+$0x1ADA0];
	v1 =	vadd.f32 v3, v1  }
0x6f: {  	v3 =	vld.idx.msk [tilespmem:v5+s2+$0x0], $0xffff  }
0x70: {  	v5 =	vld [tilespmem:s20+$0x1AEA0];
	v1 =	vadd.f32 v4, v1  }
0x71: {  	v4 =	vld.idx.msk [tilespmem:v7+s2+$0x0], $0xffff  }
0x72: {  	v7 =	vld [tilespmem:s20+$0x1AFA0];
	v1 =	vadd.f32 v2, v1  }
0x73: {  	v2 =	vld.idx.msk [tilespmem:v58+s2+$0x0], $0xffff  }
0x74: {  	v60 =	vld [tilespmem:s20+$0x1B0A0];
	v1 =	vadd.f32 v3, v1  }
0x75: {  	v3 =	vld.idx.msk [tilespmem:v59+s2+$0x0], $0xffff  }
0x76: {  	v61 =	vld [tilespmem:s20+$0x1B1A0];
	v1 =	vadd.f32 v4, v1  }
0x77: {  	v4 =	vld.idx.msk [tilespmem:v6+s2+$0x0], $0xffff  }
0x78: {  	v6 =	vld [tilespmem:s20+$0x1B2A0];
	v1 =	vadd.f32 v2, v1  }
0x79: {  	v2 =	vld.idx.msk [tilespmem:v5+s2+$0x0], $0xffff  }
0x7a: {  	v5 =	vld [tilespmem:s20+$0x1B3A0];
	v1 =	vadd.f32 v3, v1  }
0x7b: {  	v3 =	vld.idx.msk [tilespmem:v7+s2+$0x0], $0xffff  }
0x7c: {  	v7 =	vld [tilespmem:s20+$0x1B4A0];
	v1 =	vadd.f32 v4, v1  }
0x7d: {  	v4 =	vld.idx.msk [tilespmem:v60+s2+$0x0], $0xffff  }
0x7e: {  	v62 =	vld [tilespmem:s20+$0x1B5A0];
	v1 =	vadd.f32 v2, v1  }
0x7f: {  	v2 =	vld.idx.msk [tilespmem:v61+s2+$0x0], $0xffff  }
0x80: {  	v63 =	vld [tilespmem:s20+$0x1B6A0];
	v1 =	vadd.f32 v3, v1  }
0x81: {  	v3 =	vld.idx.msk [tilespmem:v6+s2+$0x0], $0xffff  }
0x82: {  	v6 =	vld [tilespmem:s20+$0x1B7A0];
	v1 =	vadd.f32 v4, v1  }
0x83: {  	v4 =	vld.idx.msk [tilespmem:v5+s2+$0x0], $0xffff  }
0x84: {  	v1 =	vadd.f32 v2, v1  }
0x85: {  	v5 =	vld.idx.msk [tilespmem:v7+s2+$0x0], $0xffff  }
0x86: {  	v1 =	vadd.f32 v3, v1  }
0x87: {  	v7 =	vld.idx.msk [tilespmem:v62+s2+$0x0], $0xffff  }
0x88: {  	v1 =	vadd.f32 v4, v1  }
0x89: {  	v2 =	vld.idx.msk [tilespmem:v63+s2+$0x0], $0xffff  }
0x8a: {  	v4 =	vadd.f32 v5, v1  }
0x8b: {  	s22 =	simm.s32 $0x10;
	v3 =	vld.idx.msk [tilespmem:v6+s2+$0x0], $0xffff  }
0x8c: {  	v1 =	vld [tilespmem:s22+$0x187A0];
	v5 =	vadd.f32 v7, v4  }
0x8d: {  	s21 =	simm.s32 $0x80;
	v4 =	vld [tilespmem:$0x1B9A0]  }
.LBB2_2:
0x8e: {  	p2 =	sne.s32 s21, $0x3C0;
	v6 =	vld [tilespmem:s22+$0x186A0];
	v2 =	vadd.f32 v2, v5;
	_ =	sdelay $0x1  }
0x8f: {  	v5 =	vld [tilespmem:s22+$0x188A0];
	v2 =	vadd.f32 v3, v2;
	_ =	sdelay $0x1  }
0x90: {  	v3 =	vld [tilespmem:s22+$0x189A0];
	v2 =	vmul.f32 v4, v2  }
0x91: {  	v4 =	vld [tilespmem:s22+$0x18BA0]  }
0x92: {  	v7 =	vld [tilespmem:s22+$0x18AA0];
	[tilespmem:s20+$0x1B8A0] =	vst v2;
	s20 =	smov.u32 s22  }
0x93: {  	v1 =	vld.idx.msk [tilespmem:v1+s2+$0x0], $0xffff  }
0x94: {  	v2 =	vld.idx.msk [tilespmem:v6+s2+$0x0], $0xffff  }
0x95: {  	v6 =	vld [tilespmem:s20+$0x18CA0]  }
0x96: {  	v5 =	vld.idx.msk [tilespmem:v5+s2+$0x0], $0xffff  }
0x97: {  	v8 =	vld [tilespmem:s20+$0x18DA0]  }
0x98: {  	v3 =	vld.idx.msk [tilespmem:v3+s2+$0x0], $0xffff  }
0x99: {  	v9 =	vld [tilespmem:s20+$0x18EA0]  }
0x9a: {  	v1 =	vadd.f32 v1, v2;
	v2 =	vld.idx.msk [tilespmem:v7+s2+$0x0], $0xffff  }
0x9b: {  	v7 =	vld [tilespmem:s20+$0x18FA0]  }
0x9c: {  	v1 =	vadd.f32 v5, v1;
	v4 =	vld.idx.msk [tilespmem:v4+s2+$0x0], $0xffff  }
0x9d: {  	v5 =	vld [tilespmem:s20+$0x190A0]  }
0x9e: {  	v1 =	vadd.f32 v3, v1;
	v3 =	vld.idx.msk [tilespmem:v6+s2+$0x0], $0xffff  }
0x9f: {  	v6 =	vld [tilespmem:s20+$0x191A0]  }
0xa0: {  	v1 =	vadd.f32 v2, v1;
	v2 =	vld.idx.msk [tilespmem:v8+s2+$0x0], $0xffff  }
0xa1: {  	v8 =	vld [tilespmem:s20+$0x192A0]  }
0xa2: {  	v1 =	vadd.f32 v4, v1;
	v4 =	vld.idx.msk [tilespmem:v9+s2+$0x0], $0xffff  }
0xa3: {  	v9 =	vld [tilespmem:s20+$0x193A0]  }
0xa4: {  	v1 =	vadd.f32 v3, v1;
	v3 =	vld.idx.msk [tilespmem:v7+s2+$0x0], $0xffff  }
0xa5: {  	v7 =	vld [tilespmem:s20+$0x194A0]  }
0xa6: {  	v1 =	vadd.f32 v2, v1;
	v2 =	vld.idx.msk [tilespmem:v5+s2+$0x0], $0xffff  }
0xa7: {  	v5 =	vld [tilespmem:s20+$0x195A0]  }
0xa8: {  	v1 =	vadd.f32 v4, v1;
	v4 =	vld.idx.msk [tilespmem:v6+s2+$0x0], $0xffff  }
0xa9: {  	v6 =	vld [tilespmem:s20+$0x196A0]  }
0xaa: {  	v1 =	vadd.f32 v3, v1;
	v3 =	vld.idx.msk [tilespmem:v8+s2+$0x0], $0xffff  }
0xab: {  	v8 =	vld [tilespmem:s20+$0x197A0]  }
0xac: {  	v1 =	vadd.f32 v2, v1;
	v2 =	vld.idx.msk [tilespmem:v9+s2+$0x0], $0xffff  }
0xad: {  	v9 =	vld [tilespmem:s20+$0x198A0]  }
0xae: {  	v1 =	vadd.f32 v4, v1;
	v4 =	vld.idx.msk [tilespmem:v7+s2+$0x0], $0xffff  }
0xaf: {  	v7 =	vld [tilespmem:s20+$0x199A0]  }
0xb0: {  	v1 =	vadd.f32 v3, v1;
	v3 =	vld.idx.msk [tilespmem:v5+s2+$0x0], $0xffff  }
0xb1: {  	v5 =	vld [tilespmem:s20+$0x19AA0]  }
0xb2: {  	v1 =	vadd.f32 v2, v1;
	v2 =	vld.idx.msk [tilespmem:v6+s2+$0x0], $0xffff  }
0xb3: {  	v6 =	vld [tilespmem:s20+$0x19BA0]  }
0xb4: {  	v1 =	vadd.f32 v4, v1;
	v4 =	vld.idx.msk [tilespmem:v8+s2+$0x0], $0xffff  }
0xb5: {  	v8 =	vld [tilespmem:s20+$0x19CA0]  }
0xb6: {  	v1 =	vadd.f32 v3, v1;
	v3 =	vld.idx.msk [tilespmem:v9+s2+$0x0], $0xffff  }
0xb7: {  	v9 =	vld [tilespmem:s20+$0x19DA0]  }
0xb8: {  	v1 =	vadd.f32 v2, v1;
	v2 =	vld.idx.msk [tilespmem:v7+s2+$0x0], $0xffff  }
0xb9: {  	v7 =	vld [tilespmem:s20+$0x19EA0]  }
0xba: {  	v1 =	vadd.f32 v4, v1;
	v4 =	vld.idx.msk [tilespmem:v5+s2+$0x0], $0xffff  }
0xbb: {  	v5 =	vld [tilespmem:s20+$0x19FA0]  }
0xbc: {  	v1 =	vadd.f32 v3, v1;
	v3 =	vld.idx.msk [tilespmem:v6+s2+$0x0], $0xffff  }
0xbd: {  	v6 =	vld [tilespmem:s20+$0x1A0A0]  }
0xbe: {  	v1 =	vadd.f32 v2, v1;
	v2 =	vld.idx.msk [tilespmem:v8+s2+$0x0], $0xffff  }
0xbf: {  	v8 =	vld [tilespmem:s20+$0x1A1A0]  }
0xc0: {  	v1 =	vadd.f32 v4, v1;
	v4 =	vld.idx.msk [tilespmem:v9+s2+$0x0], $0xffff  }
0xc1: {  	v9 =	vld [tilespmem:s20+$0x1A2A0]  }
0xc2: {  	v1 =	vadd.f32 v3, v1;
	v3 =	vld.idx.msk [tilespmem:v7+s2+$0x0], $0xffff  }
0xc3: {  	v7 =	vld [tilespmem:s20+$0x1A3A0]  }
0xc4: {  	v1 =	vadd.f32 v2, v1;
	v2 =	vld.idx.msk [tilespmem:v5+s2+$0x0], $0xffff  }
0xc5: {  	v5 =	vld [tilespmem:s20+$0x1A4A0]  }
0xc6: {  	v1 =	vadd.f32 v4, v1;
	v4 =	vld.idx.msk [tilespmem:v6+s2+$0x0], $0xffff  }
0xc7: {  	v6 =	vld [tilespmem:s20+$0x1A5A0]  }
0xc8: {  	v1 =	vadd.f32 v3, v1;
	v3 =	vld.idx.msk [tilespmem:v8+s2+$0x0], $0xffff  }
0xc9: {  	v8 =	vld [tilespmem:s20+$0x1A6A0]  }
0xca: {  	v1 =	vadd.f32 v2, v1;
	v2 =	vld.idx.msk [tilespmem:v9+s2+$0x0], $0xffff  }
0xcb: {  	v9 =	vld [tilespmem:s20+$0x1A7A0]  }
0xcc: {  	v1 =	vadd.f32 v4, v1;
	v4 =	vld.idx.msk [tilespmem:v7+s2+$0x0], $0xffff  }
0xcd: {  	v7 =	vld [tilespmem:s20+$0x1A8A0]  }
0xce: {  	v1 =	vadd.f32 v3, v1;
	v3 =	vld.idx.msk [tilespmem:v5+s2+$0x0], $0xffff  }
0xcf: {  	v5 =	vld [tilespmem:s20+$0x1A9A0]  }
0xd0: {  	v1 =	vadd.f32 v2, v1;
	v2 =	vld.idx.msk [tilespmem:v6+s2+$0x0], $0xffff  }
0xd1: {  	v6 =	vld [tilespmem:s20+$0x1AAA0]  }
0xd2: {  	v1 =	vadd.f32 v4, v1;
	v4 =	vld.idx.msk [tilespmem:v8+s2+$0x0], $0xffff  }
0xd3: {  	v8 =	vld [tilespmem:s20+$0x1ABA0]  }
0xd4: {  	v1 =	vadd.f32 v3, v1;
	v3 =	vld.idx.msk [tilespmem:v9+s2+$0x0], $0xffff  }
0xd5: {  	v9 =	vld [tilespmem:s20+$0x1ACA0]  }
0xd6: {  	v1 =	vadd.f32 v2, v1;
	v2 =	vld.idx.msk [tilespmem:v7+s2+$0x0], $0xffff  }
0xd7: {  	v7 =	vld [tilespmem:s20+$0x1ADA0]  }
0xd8: {  	v1 =	vadd.f32 v4, v1;
	v4 =	vld.idx.msk [tilespmem:v5+s2+$0x0], $0xffff  }
0xd9: {  	v5 =	vld [tilespmem:s20+$0x1AEA0]  }
0xda: {  	v1 =	vadd.f32 v3, v1;
	v3 =	vld.idx.msk [tilespmem:v6+s2+$0x0], $0xffff  }
0xdb: {  	v6 =	vld [tilespmem:s20+$0x1AFA0]  }
0xdc: {  	v1 =	vadd.f32 v2, v1;
	v2 =	vld.idx.msk [tilespmem:v8+s2+$0x0], $0xffff  }
0xdd: {  	v8 =	vld [tilespmem:s20+$0x1B0A0]  }
0xde: {  	v1 =	vadd.f32 v4, v1;
	v4 =	vld.idx.msk [tilespmem:v9+s2+$0x0], $0xffff  }
0xdf: {  	v9 =	vld [tilespmem:s20+$0x1B1A0]  }
0xe0: {  	v1 =	vadd.f32 v3, v1;
	v3 =	vld.idx.msk [tilespmem:v7+s2+$0x0], $0xffff  }
0xe1: {  	v7 =	vld [tilespmem:s20+$0x1B2A0]  }
0xe2: {  	v1 =	vadd.f32 v2, v1;
	v2 =	vld.idx.msk [tilespmem:v5+s2+$0x0], $0xffff  }
0xe3: {  	v5 =	vld [tilespmem:s20+$0x1B3A0]  }
0xe4: {  	v1 =	vadd.f32 v4, v1;
	v4 =	vld.idx.msk [tilespmem:v6+s2+$0x0], $0xffff  }
0xe5: {  	v6 =	vld [tilespmem:s20+$0x1B4A0]  }
0xe6: {  	v1 =	vadd.f32 v3, v1;
	v3 =	vld.idx.msk [tilespmem:v8+s2+$0x0], $0xffff  }
0xe7: {  	v8 =	vld [tilespmem:s20+$0x1B5A0]  }
0xe8: {  	v1 =	vadd.f32 v2, v1;
	v2 =	vld.idx.msk [tilespmem:v9+s2+$0x0], $0xffff  }
0xe9: {  	v9 =	vld [tilespmem:s20+$0x1B6A0]  }
0xea: {  	v1 =	vadd.f32 v4, v1;
	v4 =	vld.idx.msk [tilespmem:v7+s2+$0x0], $0xffff  }
0xeb: {  	v7 =	vld [tilespmem:s20+$0x1B7A0]  }
0xec: {  	v1 =	vadd.f32 v3, v1;
	v3 =	vld.idx.msk [tilespmem:v5+s2+$0x0], $0xffff;
	_ =	sdelay $0x1  }
0xed: {  	v1 =	vadd.f32 v2, v1;
	v5 =	vld.idx.msk [tilespmem:v6+s2+$0x0], $0xffff;
	_ =	sdelay $0x1  }
0xee: {  	v1 =	vadd.f32 v4, v1;
	v4 =	vld.idx.msk [tilespmem:v8+s2+$0x0], $0xffff;
	_ =	sdelay $0x1  }
0xef: {  	v1 =	vadd.f32 v3, v1;
	v2 =	vld.idx.msk [tilespmem:v9+s2+$0x0], $0xffff  }
.Ltmp0:
0xf0: {  	(pc) =	sbr.rel @p2 .LBB2_2-.Ltmp0, $4  }
0xf1: {  	v5 =	vadd.f32 v5, v1;
	v3 =	vld.idx.msk [tilespmem:v7+s2+$0x0], $0xffff  }
0xf2: {  	s22 =	sshra.s32 s21, $0x2  }
0xf3: {  	v5 =	vadd.f32 v4, v5;
	v1 =	vld [tilespmem:s22+$0x187A0]  }
0xf4: {  	s21 =	sadd.s32 $0x40, s21;
	v4 =	vld [tilespmem:$0x1B9A0]  }
0xf5: {  	v6 =	vld [tilespmem:s22+$0x186A0];
	v2 =	vadd.f32 v2, v5;
	_ =	sdelay $0x1  }
0xf6: {  	v57 =	vld [tilespmem:s22+$0x188A0];
	v2 =	vadd.f32 v3, v2;
	_ =	sdelay $0x1  }
0xf7: {  	v3 =	vld [tilespmem:s22+$0x189A0];
	v2 =	vmul.f32 v4, v2  }
0xf8: {  	v58 =	vld [tilespmem:s22+$0x18BA0]  }
0xf9: {  	v7 =	vld [tilespmem:s22+$0x18AA0];
	[tilespmem:s20+$0x1B8A0] =	vst v2  }
0xfa: {  	v1 =	vld.idx.msk [tilespmem:v1+s2+$0x0], $0xffff  }
0xfb: {  	v2 =	vld.idx.msk [tilespmem:v6+s2+$0x0], $0xffff  }
0xfc: {  	v59 =	vld [tilespmem:s22+$0x18CA0]  }
0xfd: {  	v5 =	vld.idx.msk [tilespmem:v57+s2+$0x0], $0xffff  }
0xfe: {  	v8 =	vld [tilespmem:s22+$0x18DA0]  }
0xff: {  	v3 =	vld.idx.msk [tilespmem:v3+s2+$0x0], $0xffff  }
0x100: {  	v9 =	vld [tilespmem:s22+$0x18EA0];
	v1 =	vadd.f32 v1, v2  }
0x101: {  	v2 =	vld.idx.msk [tilespmem:v7+s2+$0x0], $0xffff  }
0x102: {  	v60 =	vld [tilespmem:s22+$0x18FA0];
	v1 =	vadd.f32 v5, v1  }
0x103: {  	v4 =	vld.idx.msk [tilespmem:v58+s2+$0x0], $0xffff  }
0x104: {  	v61 =	vld [tilespmem:s22+$0x190A0];
	v1 =	vadd.f32 v3, v1  }
0x105: {  	v3 =	vld.idx.msk [tilespmem:v59+s2+$0x0], $0xffff  }
0x106: {  	v62 =	vld [tilespmem:s22+$0x191A0];
	v1 =	vadd.f32 v2, v1  }
0x107: {  	v2 =	vld.idx.msk [tilespmem:v8+s2+$0x0], $0xffff  }
0x108: {  	v63 =	vld [tilespmem:s22+$0x192A0];
	v1 =	vadd.f32 v4, v1  }
0x109: {  	v12 =	vld.idx.msk [tilespmem:v9+s2+$0x0], $0xffff  }
0x10a: {  	v13 =	vld [tilespmem:s22+$0x193A0];
	v1 =	vadd.f32 v3, v1  }
0x10b: {  	v3 =	vld.idx.msk [tilespmem:v60+s2+$0x0], $0xffff  }
0x10c: {  	v14 =	vld [tilespmem:s22+$0x194A0];
	v1 =	vadd.f32 v2, v1  }
0x10d: {  	v2 =	vld.idx.msk [tilespmem:v61+s2+$0x0], $0xffff  }
0x10e: {  	v15 =	vld [tilespmem:s22+$0x195A0];
	v1 =	vadd.f32 v12, v1  }
0x10f: {  	v16 =	vld.idx.msk [tilespmem:v62+s2+$0x0], $0xffff  }
0x110: {  	v17 =	vld [tilespmem:s22+$0x196A0];
	v1 =	vadd.f32 v3, v1  }
0x111: {  	v3 =	vld.idx.msk [tilespmem:v63+s2+$0x0], $0xffff  }
0x112: {  	v18 =	vld [tilespmem:s22+$0x197A0];
	v1 =	vadd.f32 v2, v1  }
0x113: {  	v2 =	vld.idx.msk [tilespmem:v13+s2+$0x0], $0xffff  }
0x114: {  	v19 =	vld [tilespmem:s22+$0x198A0];
	v1 =	vadd.f32 v16, v1  }
0x115: {  	v20 =	vld.idx.msk [tilespmem:v14+s2+$0x0], $0xffff  }
0x116: {  	v21 =	vld [tilespmem:s22+$0x199A0];
	v1 =	vadd.f32 v3, v1  }
0x117: {  	v3 =	vld.idx.msk [tilespmem:v15+s2+$0x0], $0xffff  }
0x118: {  	v22 =	vld [tilespmem:s22+$0x19AA0];
	v1 =	vadd.f32 v2, v1  }
0x119: {  	v2 =	vld.idx.msk [tilespmem:v17+s2+$0x0], $0xffff  }
0x11a: {  	v23 =	vld [tilespmem:s22+$0x19BA0];
	v1 =	vadd.f32 v20, v1  }
0x11b: {  	v24 =	vld.idx.msk [tilespmem:v18+s2+$0x0], $0xffff  }
0x11c: {  	v25 =	vld [tilespmem:s22+$0x19CA0];
	v1 =	vadd.f32 v3, v1  }
0x11d: {  	v3 =	vld.idx.msk [tilespmem:v19+s2+$0x0], $0xffff  }
0x11e: {  	v26 =	vld [tilespmem:s22+$0x19DA0];
	v1 =	vadd.f32 v2, v1  }
0x11f: {  	v2 =	vld.idx.msk [tilespmem:v21+s2+$0x0], $0xffff  }
0x120: {  	v27 =	vld [tilespmem:s22+$0x19EA0];
	v1 =	vadd.f32 v24, v1  }
0x121: {  	v28 =	vld.idx.msk [tilespmem:v22+s2+$0x0], $0xffff  }
0x122: {  	v29 =	vld [tilespmem:s22+$0x19FA0];
	v1 =	vadd.f32 v3, v1  }
0x123: {  	v3 =	vld.idx.msk [tilespmem:v23+s2+$0x0], $0xffff  }
0x124: {  	v30 =	vld [tilespmem:s22+$0x1A0A0];
	v1 =	vadd.f32 v2, v1  }
0x125: {  	v2 =	vld.idx.msk [tilespmem:v25+s2+$0x0], $0xffff  }
0x126: {  	v31 =	vld [tilespmem:s22+$0x1A1A0];
	v1 =	vadd.f32 v28, v1  }
0x127: {  	v32 =	vld.idx.msk [tilespmem:v26+s2+$0x0], $0xffff  }
0x128: {  	v33 =	vld [tilespmem:s22+$0x1A2A0];
	v1 =	vadd.f32 v3, v1  }
0x129: {  	v3 =	vld.idx.msk [tilespmem:v27+s2+$0x0], $0xffff  }
0x12a: {  	v34 =	vld [tilespmem:s22+$0x1A3A0];
	v1 =	vadd.f32 v2, v1  }
0x12b: {  	v2 =	vld.idx.msk [tilespmem:v29+s2+$0x0], $0xffff  }
0x12c: {  	v35 =	vld [tilespmem:s22+$0x1A4A0];
	v1 =	vadd.f32 v32, v1  }
0x12d: {  	v36 =	vld.idx.msk [tilespmem:v30+s2+$0x0], $0xffff  }
0x12e: {  	v37 =	vld [tilespmem:s22+$0x1A5A0];
	v1 =	vadd.f32 v3, v1  }
0x12f: {  	v3 =	vld.idx.msk [tilespmem:v31+s2+$0x0], $0xffff  }
0x130: {  	v38 =	vld [tilespmem:s22+$0x1A6A0];
	v1 =	vadd.f32 v2, v1  }
0x131: {  	v2 =	vld.idx.msk [tilespmem:v33+s2+$0x0], $0xffff  }
0x132: {  	v39 =	vld [tilespmem:s22+$0x1A7A0];
	v1 =	vadd.f32 v36, v1  }
0x133: {  	v40 =	vld.idx.msk [tilespmem:v34+s2+$0x0], $0xffff  }
0x134: {  	v41 =	vld [tilespmem:s22+$0x1A8A0];
	v1 =	vadd.f32 v3, v1  }
0x135: {  	v3 =	vld.idx.msk [tilespmem:v35+s2+$0x0], $0xffff  }
0x136: {  	v42 =	vld [tilespmem:s22+$0x1A9A0];
	v1 =	vadd.f32 v2, v1  }
0x137: {  	v2 =	vld.idx.msk [tilespmem:v37+s2+$0x0], $0xffff  }
0x138: {  	v43 =	vld [tilespmem:s22+$0x1AAA0];
	v1 =	vadd.f32 v40, v1  }
0x139: {  	v44 =	vld.idx.msk [tilespmem:v38+s2+$0x0], $0xffff  }
0x13a: {  	v45 =	vld [tilespmem:s22+$0x1ABA0];
	v1 =	vadd.f32 v3, v1  }
0x13b: {  	v3 =	vld.idx.msk [tilespmem:v39+s2+$0x0], $0xffff  }
0x13c: {  	v46 =	vld [tilespmem:s22+$0x1ACA0];
	v1 =	vadd.f32 v2, v1  }
0x13d: {  	v2 =	vld.idx.msk [tilespmem:v41+s2+$0x0], $0xffff  }
0x13e: {  	v47 =	vld [tilespmem:s22+$0x1ADA0];
	v1 =	vadd.f32 v44, v1  }
0x13f: {  	v48 =	vld.idx.msk [tilespmem:v42+s2+$0x0], $0xffff  }
0x140: {  	v49 =	vld [tilespmem:s22+$0x1AEA0];
	v1 =	vadd.f32 v3, v1  }
0x141: {  	v3 =	vld.idx.msk [tilespmem:v43+s2+$0x0], $0xffff  }
0x142: {  	v50 =	vld [tilespmem:s22+$0x1AFA0];
	v1 =	vadd.f32 v2, v1  }
0x143: {  	v2 =	vld.idx.msk [tilespmem:v45+s2+$0x0], $0xffff  }
0x144: {  	v51 =	vld [tilespmem:s22+$0x1B0A0];
	v1 =	vadd.f32 v48, v1  }
0x145: {  	v52 =	vld.idx.msk [tilespmem:v46+s2+$0x0], $0xffff  }
0x146: {  	v53 =	vld [tilespmem:s22+$0x1B1A0];
	v1 =	vadd.f32 v3, v1  }
0x147: {  	v3 =	vld.idx.msk [tilespmem:v47+s2+$0x0], $0xffff  }
0x148: {  	v54 =	vld [tilespmem:s22+$0x1B2A0];
	v1 =	vadd.f32 v2, v1  }
0x149: {  	v2 =	vld.idx.msk [tilespmem:v49+s2+$0x0], $0xffff  }
0x14a: {  	v55 =	vld [tilespmem:s22+$0x1B3A0];
	v1 =	vadd.f32 v52, v1  }
0x14b: {  	v56 =	vld.idx.msk [tilespmem:v50+s2+$0x0], $0xffff  }
0x14c: {  	v57 =	vld [tilespmem:s22+$0x1B4A0];
	v1 =	vadd.f32 v3, v1  }
0x14d: {  	v3 =	vld.idx.msk [tilespmem:v51+s2+$0x0], $0xffff  }
0x14e: {  	v58 =	vld [tilespmem:s22+$0x1B5A0];
	v1 =	vadd.f32 v2, v1  }
0x14f: {  	v2 =	vld.idx.msk [tilespmem:v53+s2+$0x0], $0xffff  }
0x150: {  	v59 =	vld [tilespmem:s22+$0x1B6A0];
	v1 =	vadd.f32 v56, v1  }
0x151: {  	v60 =	vld.idx.msk [tilespmem:v54+s2+$0x0], $0xffff  }
0x152: {  	v61 =	vld [tilespmem:s22+$0x1B7A0];
	v1 =	vadd.f32 v3, v1  }
0x153: {  	v3 =	vld.idx.msk [tilespmem:v55+s2+$0x0], $0xffff  }
0x154: {  	v1 =	vadd.f32 v2, v1  }
0x155: {  	v2 =	vld.idx.msk [tilespmem:v57+s2+$0x0], $0xffff  }
0x156: {  	v1 =	vadd.f32 v60, v1  }
0x157: {  	v62 =	vld.idx.msk [tilespmem:v58+s2+$0x0], $0xffff  }
0x158: {  	v1 =	vadd.f32 v3, v1  }
0x159: {  	v3 =	vld.idx.msk [tilespmem:v59+s2+$0x0], $0xffff  }
0x15a: {  	v1 =	vadd.f32 v2, v1  }
0x15b: {  	v2 =	vld.idx.msk [tilespmem:v61+s2+$0x0], $0xffff  }
0x15c: {  	v1 =	vadd.f32 v62, v1  }
0x15d: {  	v63 =	vld [tilespmem:$0x1B9A0]  }
0x15e: {  	v1 =	vadd.f32 v3, v1;
	_ =	sdelay $0x1  }
0x15f: {  	v1 =	vadd.f32 v2, v1;
	_ =	sdelay $0x1  }
0x160: {  	s19 =	sadd.s32 $0x1, s19;
	v1 =	vmul.f32 v63, v1  }
0x161: {  	p2 =	sne.s32 s19, s10  }
.Ltmp1:
0x162: {  	[tilespmem:s22+$0x1B8A0] =	vst v1;
	(pc) =	sbr.rel @p2 .LBB2_1-.Ltmp1, $4  }
0x163: {  	[hbm4b:s9+s2] =	stream.linear.scatter [tilespmem:s16], [sflag:$0x4], $0x100, $0x38;
	[tilespmem:$0x1B9B0] =	vst v63  }
0x164: {  	_ =	swait.ge [sflag:s17], $0x100  }
0x165: {  	[sflag:s17] =	ssyncset.done $0x0  }
0x166: {  	[sflag:s17] =	ssyncadd.s32 $0xFFFFFF00  }
0x167: {  	_ =	sfence.sel $0x180000  }
0x168: {  	[bflag:$0x0] =	sbarrier.arrive $0xFFFF  }
0x169: {  	p0 =	sne.s32 s0, $0x0;
	_ =	strace $0x90000047  }
0x16a: {  	s0 =	sadd.s32 @!p0 $0x100000, s1;
	[bflag:$0x2] =	sbarrier.arrive $0xFFFF  }
0x16b: {  	[sflag:s0] =	ssyncadd.tile.s32 @!p0 $0x1;
	_ =	shalt  }
.Lfunc_end2:
_tile_overlayer_lowered:
.L_overlay_start_2:
0x16c: {  	(tag) =	ssettag $0x2  }
0x16d: {  	s0 =	rddreg [dreg:$0x0];
	s2 =	stileid.u32  }
0x16e: {  	s1 =	rddreg [dreg:$0x1];
	p0 =	sne.s32 s2, $0x0  }
0x16f: {  	s3 =	rddreg [dreg:$0x2];
	[bflag:$0x3] =	sbarrier.arrive $0xFFFF;
	s2 =	simm.s32 @!p0 $0x1C04  }
0x170: {  	[timem:s3], [sflag:s2] =	dma.local @!p0 [hbm:s0], s1  }
0x171: {  	s0 =	simm.s32 @!p0 $0x4  }
0x172: {  	_ =	swait.ge @!p0 [sflag:s0], s1  }
0x173: {  	s1 =	ssub.s32 @!p0 $0x0, s1;
	[sflag:s0] =	ssyncset.done @!p0 $0x0  }
0x174: {  	[sflag:s0] =	ssyncadd.s32 @!p0 s1  }
0x175: {  	[bflag:$0x3] =	sbarrier.arrive $0xFFFF  }
0x176: {  	_ =	shalt  }

</sc_bundles>
